<compile_context>
chip_gen: v7x
topology: tpu7x:2x2x1
jax: 0.10.2.dev20260603
libtpu: 0.0.44.dev20260713+nightly
codegen_flags: <defaults>
</compile_context>

<pallas_src>
import functools

import jax
import jax.numpy as jnp
from jax import lax
from jax.experimental import pallas as pl
from jax.experimental.pallas import tpu as pltpu
from jax.experimental.pallas import tpu_sc as plsc

_A_MUTUAL = 0.39
_N_NODES = 100000
_N_EDGES = 3200000

_NC, _NS = 2, 16
_NW = _NC * _NS
_EDGES_PER_W = _N_EDGES // _NW
_CHUNK = 2000
_NCHUNK = _EDGES_PER_W // _CHUNK
_L = 16

_N_PAD = 100352


def _table_body(pol_ref, out_ref):
    out_ref[...] = jnp.float32(_A_MUTUAL ** 0.5) * lax.rsqrt(pol_ref[...])


def _node_table(pol):
    p = jnp.pad(pol.reshape(-1), (0, _N_PAD - _N_NODES), constant_values=1.0)
    t = pl.pallas_call(
        _table_body,
        out_shape=jax.ShapeDtypeStruct((_N_PAD // 128, 128), jnp.float32),
    )(p.reshape(_N_PAD // 128, 128))
    return t.reshape(_N_PAD)


_mesh = plsc.VectorSubcoreMesh(
    core_axis_name="c", subcore_axis_name="s", num_cores=_NC, num_subcores=_NS
)


@functools.partial(
    pl.kernel,
    out_type=(
        jax.ShapeDtypeStruct((_N_EDGES,), jnp.float32),
        jax.ShapeDtypeStruct((_N_EDGES,), jnp.float32),
    ),
    mesh=_mesh,
    compiler_params=pltpu.CompilerParams(needs_layout_passes=False),
    scratch_types=[
        pltpu.VMEM((_N_PAD,), jnp.float32),
        pltpu.VMEM_SHARED((_N_PAD,), jnp.float32),
        pltpu.VMEM((_CHUNK,), jnp.int32),
        pltpu.VMEM((_CHUNK,), jnp.int32),
        pltpu.VMEM((_CHUNK,), jnp.int32),
        pltpu.VMEM((_CHUNK,), jnp.int32),
        pltpu.VMEM((_CHUNK,), jnp.float32),
        pltpu.VMEM((_CHUNK,), jnp.float32),
        pltpu.VMEM((_CHUNK,), jnp.float32),
        pltpu.VMEM((_CHUNK,), jnp.float32),
        pltpu.VMEM((_CHUNK,), jnp.float32),
        pltpu.VMEM((_CHUNK,), jnp.float32),
        pltpu.SemaphoreType.DMA((2,)),
        pltpu.SemaphoreType.DMA((2,)),
    ],
)
def _sc_damping(t_hbm, src_hbm, dst_hbm, dist_hbm, l3_hbm, l5_hbm,
                table_v, table_sh, src_v0, src_v1, dst_v0, dst_v1, dist_v0, dist_v1,
                l3_v0, l3_v1, l5_v0, l5_v1, in_sem, out_sem):
    src_b, dst_b, dist_b = (src_v0, src_v1), (dst_v0, dst_v1), (dist_v0, dist_v1)
    l3_b, l5_b = (l3_v0, l3_v1), (l5_v0, l5_v1)
    wid = lax.axis_index("s") * _NC + lax.axis_index("c")
    base = wid * _EDGES_PER_W

    def start_in(j, b):
        off = base + j * _CHUNK
        pltpu.async_copy(src_hbm.at[pl.ds(off, _CHUNK)], src_b[b], in_sem.at[b])
        pltpu.async_copy(dst_hbm.at[pl.ds(off, _CHUNK)], dst_b[b], in_sem.at[b])
        pltpu.async_copy(dist_hbm.at[pl.ds(off, _CHUNK)], dist_b[b], in_sem.at[b])

    def wait_in(j, b):
        off = base + j * _CHUNK
        pltpu.make_async_copy(src_hbm.at[pl.ds(off, _CHUNK)], src_b[b], in_sem.at[b]).wait()
        pltpu.make_async_copy(dst_hbm.at[pl.ds(off, _CHUNK)], dst_b[b], in_sem.at[b]).wait()
        pltpu.make_async_copy(dist_hbm.at[pl.ds(off, _CHUNK)], dist_b[b], in_sem.at[b]).wait()

    def start_out(j, b):
        off = base + j * _CHUNK
        pltpu.async_copy(l3_b[b], l3_hbm.at[pl.ds(off, _CHUNK)], out_sem.at[b])
        pltpu.async_copy(l5_b[b], l5_hbm.at[pl.ds(off, _CHUNK)], out_sem.at[b])

    def wait_out(j, b):
        off = base + j * _CHUNK
        pltpu.make_async_copy(l3_b[b], l3_hbm.at[pl.ds(off, _CHUNK)], out_sem.at[b]).wait()
        pltpu.make_async_copy(l5_b[b], l5_hbm.at[pl.ds(off, _CHUNK)], out_sem.at[b]).wait()

    start_in(0, 0)
    start_in(1, 1)

    @pl.when(lax.axis_index("s") == 0)
    def _():
        pltpu.sync_copy(t_hbm, table_sh)

    plsc.subcore_barrier()
    pltpu.sync_copy(table_sh, table_v)

    @pl.loop(0, _NCHUNK, step=2)
    def _outer(j):
        for b in range(2):
            jj = j + b
            wait_in(jj, b)

            @pl.when(jj >= 2)
            def _():
                wait_out(jj - 2, b)

            @plsc.parallel_loop(0, _CHUNK // _L, unroll=5)
            def _vec(i):
                s = pl.ds(i * _L, _L)
                ts = plsc.load_gather(table_v, [src_b[b][s]])
                td = plsc.load_gather(table_v, [dst_b[b][s]])
                d = dist_b[b][s]
                au3 = d * d * d * ts * td
                e = jnp.exp(-au3)
                l3 = 1.0 - e
                l3_b[b][s] = l3
                l5_b[b][s] = l3 - au3 * e

            start_out(jj, b)

            @pl.when(jj + 2 < _NCHUNK)
            def _():
                start_in(jj + 2, b)

    wait_out(_NCHUNK - 2, 0)
    wait_out(_NCHUNK - 1, 1)


def kernel(species, edge_src, edge_dst, distances, vec, polarisability):
    del species, vec
    t = _node_table(polarisability)
    l3, l5 = _sc_damping(t, edge_src, edge_dst, distances)
    return (l3, l5)

# --- scband reference (transcript-rebuilt; emitter-appended) ---
"""Pipeline reference for scband-polarisation-71356586656299 (READ-ONLY COPY).

The authoritative reference and input builder live on the scoring server;
editing this copy changes nothing except your own understanding.
"""

import jax, jax.numpy as jnp
import numpy as np

BOHR = 0.52917721067
A_MUTUAL = 0.39
N_NODES = 100000
N_EDGES = 3200000


def setup_inputs(seed: int = 0) -> dict:
    key = jax.random.key(seed)
    k1, k2, k3, k4, k5, k6 = jax.random.split(key, 6)
    species = jax.random.randint(k1, (N_NODES,), 1, 10)
    edge_src = jax.random.randint(k2, (N_EDGES,), 0, N_NODES)
    edge_dst = jax.random.randint(k3, (N_EDGES,), 0, N_NODES)
    distances = jax.random.uniform(k4, (N_EDGES,), minval=0.5, maxval=6.0, dtype=jnp.float32)
    vec = jax.random.normal(k5, (N_EDGES, 3), dtype=jnp.float32)
    polarisability = jax.random.uniform(k6, (N_NODES,), minval=0.5, maxval=3.0, dtype=jnp.float32)
    return {
        "species": species,
        "edge_src": edge_src,
        "edge_dst": edge_dst,
        "distances": distances,
        "vec": vec,
        "polarisability": polarisability,
    }


def reference(species, edge_src, edge_dst, distances, vec, polarisability):
    # Faithful translation of Polarisation.__call__ (computable portion):
    # unit conversion -> per-edge gathers of polarisability -> effective
    # distances u_ij -> Thole damping functions lambda_3 / lambda_5.
    species = species.reshape(-1)
    rij = distances / BOHR
    vec_ij = vec / BOHR  # used by the (incomplete) T-matrix construction
    pol = polarisability.reshape(-1) / BOHR ** 3
    # SparseCore-style gathers over edges
    pol_src = jnp.take(pol, edge_src, axis=0)
    pol_dst = jnp.take(pol, edge_dst, axis=0)
    alpha_ij = pol_dst * pol_src
    # get_uij
    uij = rij / alpha_ij ** (1.0 / 6.0)
    # damping(uij, a)
    au3 = A_MUTUAL * uij ** 3
    exp = jnp.exp(-au3)
    lambda_3 = 1.0 - exp
    lambda_5 = 1.0 - (1.0 + au3) * exp
    return (lambda_3, lambda_5)

if __name__ == "__main__":
    import jax
    _d = setup_inputs()
    print(jax.jit(kernel)(*tuple(_d.values())))

</pallas_src>

<mosaic_0001>
#map = affine_map<(d0, d1) -> (0)>
module attributes {stable_mosaic.version = 14 : i64} {
  func.func @_sc_damping(%arg0: i32, %arg1: i32, %arg2: memref<100352xf32, #tpu.memory_space<hbm>>, %arg3: memref<3200000xi32, #tpu.memory_space<hbm>>, %arg4: memref<3200000xi32, #tpu.memory_space<hbm>>, %arg5: memref<3200000xf32, #tpu.memory_space<hbm>>, %arg6: memref<3200000xf32, #tpu.memory_space<hbm>>, %arg7: memref<3200000xf32, #tpu.memory_space<hbm>>, %arg8: memref<100352xf32, #tpu.memory_space<vmem>>, %arg9: memref<100352xf32, #tpu.memory_space<vmem_shared>>, %arg10: memref<2000xi32, #tpu.memory_space<vmem>>, %arg11: memref<2000xi32, #tpu.memory_space<vmem>>, %arg12: memref<2000xi32, #tpu.memory_space<vmem>>, %arg13: memref<2000xi32, #tpu.memory_space<vmem>>, %arg14: memref<2000xf32, #tpu.memory_space<vmem>>, %arg15: memref<2000xf32, #tpu.memory_space<vmem>>, %arg16: memref<2000xf32, #tpu.memory_space<vmem>>, %arg17: memref<2000xf32, #tpu.memory_space<vmem>>, %arg18: memref<2000xf32, #tpu.memory_space<vmem>>, %arg19: memref<2000xf32, #tpu.memory_space<vmem>>, %arg20: memref<2x!tpu.dma_semaphore, #tpu.memory_space<semaphore_mem>>, %arg21: memref<2x!tpu.dma_semaphore, #tpu.memory_space<semaphore_mem>>) attributes {dimension_semantics = [#tpu.dimension_semantics<core_parallel>, #tpu.dimension_semantics<subcore_parallel>], iteration_bounds = array<i64: 2, 16>, scalar_prefetch = 0 : i64, scratch_operands = 14 : i64, tpu.core_type = #tpu.core_type<sc_vector_subcore>, window_params = [{transform_indices = #map}, {transform_indices = #map}, {transform_indices = #map}, {transform_indices = #map}, {transform_indices = #map}, {transform_indices = #map}]} {
    %mul3A = arith.constant 2 : i32
    %mul3A_0 = arith.muli %arg1, %mul3A : i32
    %add3A = arith.addi %mul3A_0, %arg0 : i32
    %mul3A_1 = arith.constant 100000 : i32
    %mul3A_2 = arith.muli %add3A, %mul3A_1 : i32
    %add3A_3 = arith.constant 0 : i32
    %add3A_4 = arith.addi %mul3A_2, %add3A_3 : i32
    %dma_start3A = arith.constant 0 : i32
    %dma_start3A_5 = tpu.memref_slice %arg3[%add3A_4] : memref<3200000xi32, #tpu.memory_space<hbm>> -> memref<2000xi32, #tpu.memory_space<hbm>>
    %dma_start3A_6 = tpu.memref_slice %arg20[%dma_start3A] : memref<2x!tpu.dma_semaphore, #tpu.memory_space<semaphore_mem>> -> memref<1x!tpu.dma_semaphore, #tpu.memory_space<semaphore_mem>>
    %dma_start3A_7 = tpu.memref_squeeze %dma_start3A_6 : memref<1x!tpu.dma_semaphore, #tpu.memory_space<semaphore_mem>> -> memref<!tpu.dma_semaphore, #tpu.memory_space<semaphore_mem>>
    %dma_start3A_8 = tpu.memref_slice %arg3[%add3A_4] : memref<3200000xi32, #tpu.memory_space<hbm>> -> memref<2000xi32, #tpu.memory_space<hbm>>
    tpu.enqueue_dma source(%dma_start3A_8 : memref<2000xi32, #tpu.memory_space<hbm>>) target(%arg10 : memref<2000xi32, #tpu.memory_space<vmem>>) target_semaphore(%dma_start3A_7 : memref<!tpu.dma_semaphore, #tpu.memory_space<semaphore_mem>>)
    %dma_start3A_9 = arith.constant 0 : i32
    %dma_start3A_10 = tpu.memref_slice %arg4[%add3A_4] : memref<3200000xi32, #tpu.memory_space<hbm>> -> memref<2000xi32, #tpu.memory_space<hbm>>
    %dma_start3A_11 = tpu.memref_slice %arg20[%dma_start3A_9] : memref<2x!tpu.dma_semaphore, #tpu.memory_space<semaphore_mem>> -> memref<1x!tpu.dma_semaphore, #tpu.memory_space<semaphore_mem>>
    %dma_start3A_12 = tpu.memref_squeeze %dma_start3A_11 : memref<1x!tpu.dma_semaphore, #tpu.memory_space<semaphore_mem>> -> memref<!tpu.dma_semaphore, #tpu.memory_space<semaphore_mem>>
    %dma_start3A_13 = tpu.memref_slice %arg4[%add3A_4] : memref<3200000xi32, #tpu.memory_space<hbm>> -> memref<2000xi32, #tpu.memory_space<hbm>>
    tpu.enqueue_dma source(%dma_start3A_13 : memref<2000xi32, #tpu.memory_space<hbm>>) target(%arg12 : memref<2000xi32, #tpu.memory_space<vmem>>) target_semaphore(%dma_start3A_12 : memref<!tpu.dma_semaphore, #tpu.memory_space<semaphore_mem>>)
    %dma_start3A_14 = arith.constant 0 : i32
    %dma_start3A_15 = tpu.memref_slice %arg5[%add3A_4] : memref<3200000xf32, #tpu.memory_space<hbm>> -> memref<2000xf32, #tpu.memory_space<hbm>>
    %dma_start3A_16 = tpu.memref_slice %arg20[%dma_start3A_14] : memref<2x!tpu.dma_semaphore, #tpu.memory_space<semaphore_mem>> -> memref<1x!tpu.dma_semaphore, #tpu.memory_space<semaphore_mem>>
    %dma_start3A_17 = tpu.memref_squeeze %dma_start3A_16 : memref<1x!tpu.dma_semaphore, #tpu.memory_space<semaphore_mem>> -> memref<!tpu.dma_semaphore, #tpu.memory_space<semaphore_mem>>
    %dma_start3A_18 = tpu.memref_slice %arg5[%add3A_4] : memref<3200000xf32, #tpu.memory_space<hbm>> -> memref<2000xf32, #tpu.memory_space<hbm>>
    tpu.enqueue_dma source(%dma_start3A_18 : memref<2000xf32, #tpu.memory_space<hbm>>) target(%arg14 : memref<2000xf32, #tpu.memory_space<vmem>>) target_semaphore(%dma_start3A_17 : memref<!tpu.dma_semaphore, #tpu.memory_space<semaphore_mem>>)
    %add3A_19 = arith.constant 2000 : i32
    %add3A_20 = arith.addi %mul3A_2, %add3A_19 : i32
    %dma_start3A_21 = arith.constant 1 : i32
    %dma_start3A_22 = tpu.memref_slice %arg3[%add3A_20] : memref<3200000xi32, #tpu.memory_space<hbm>> -> memref<2000xi32, #tpu.memory_space<hbm>>
    %dma_start3A_23 = tpu.memref_slice %arg20[%dma_start3A_21] : memref<2x!tpu.dma_semaphore, #tpu.memory_space<semaphore_mem>> -> memref<1x!tpu.dma_semaphore, #tpu.memory_space<semaphore_mem>>
    %dma_start3A_24 = tpu.memref_squeeze %dma_start3A_23 : memref<1x!tpu.dma_semaphore, #tpu.memory_space<semaphore_mem>> -> memref<!tpu.dma_semaphore, #tpu.memory_space<semaphore_mem>>
    %dma_start3A_25 = tpu.memref_slice %arg3[%add3A_20] : memref<3200000xi32, #tpu.memory_space<hbm>> -> memref<2000xi32, #tpu.memory_space<hbm>>
    tpu.enqueue_dma source(%dma_start3A_25 : memref<2000xi32, #tpu.memory_space<hbm>>) target(%arg11 : memref<2000xi32, #tpu.memory_space<vmem>>) target_semaphore(%dma_start3A_24 : memref<!tpu.dma_semaphore, #tpu.memory_space<semaphore_mem>>)
    %dma_start3A_26 = arith.constant 1 : i32
    %dma_start3A_27 = tpu.memref_slice %arg4[%add3A_20] : memref<3200000xi32, #tpu.memory_space<hbm>> -> memref<2000xi32, #tpu.memory_space<hbm>>
    %dma_start3A_28 = tpu.memref_slice %arg20[%dma_start3A_26] : memref<2x!tpu.dma_semaphore, #tpu.memory_space<semaphore_mem>> -> memref<1x!tpu.dma_semaphore, #tpu.memory_space<semaphore_mem>>
    %dma_start3A_29 = tpu.memref_squeeze %dma_start3A_28 : memref<1x!tpu.dma_semaphore, #tpu.memory_space<semaphore_mem>> -> memref<!tpu.dma_semaphore, #tpu.memory_space<semaphore_mem>>
    %dma_start3A_30 = tpu.memref_slice %arg4[%add3A_20] : memref<3200000xi32, #tpu.memory_space<hbm>> -> memref<2000xi32, #tpu.memory_space<hbm>>
    tpu.enqueue_dma source(%dma_start3A_30 : memref<2000xi32, #tpu.memory_space<hbm>>) target(%arg13 : memref<2000xi32, #tpu.memory_space<vmem>>) target_semaphore(%dma_start3A_29 : memref<!tpu.dma_semaphore, #tpu.memory_space<semaphore_mem>>)
    %dma_start3A_31 = arith.constant 1 : i32
    %dma_start3A_32 = tpu.memref_slice %arg5[%add3A_20] : memref<3200000xf32, #tpu.memory_space<hbm>> -> memref<2000xf32, #tpu.memory_space<hbm>>
    %dma_start3A_33 = tpu.memref_slice %arg20[%dma_start3A_31] : memref<2x!tpu.dma_semaphore, #tpu.memory_space<semaphore_mem>> -> memref<1x!tpu.dma_semaphore, #tpu.memory_space<semaphore_mem>>
    %dma_start3A_34 = tpu.memref_squeeze %dma_start3A_33 : memref<1x!tpu.dma_semaphore, #tpu.memory_space<semaphore_mem>> -> memref<!tpu.dma_semaphore, #tpu.memory_space<semaphore_mem>>
    %dma_start3A_35 = tpu.memref_slice %arg5[%add3A_20] : memref<3200000xf32, #tpu.memory_space<hbm>> -> memref<2000xf32, #tpu.memory_space<hbm>>
    tpu.enqueue_dma source(%dma_start3A_35 : memref<2000xf32, #tpu.memory_space<hbm>>) target(%arg15 : memref<2000xf32, #tpu.memory_space<vmem>>) target_semaphore(%dma_start3A_34 : memref<!tpu.dma_semaphore, #tpu.memory_space<semaphore_mem>>)
    %eq3A = arith.constant 0 : i32
    %eq3A_36 = arith.cmpi eq, %arg1, %eq3A : i32
    %convert_element_type3A = arith.extui %eq3A_36 : i1 to i32
    %cond3A = arith.constant 0 : i32
    %cond3A_37 = arith.cmpi ne, %convert_element_type3A, %cond3A : i32
    scf.if %cond3A_37 {
      "tpu.region"() ({
        %run_scoped3A = tpu.sem_alloc : memref<!tpu.dma_semaphore, #tpu.memory_space<semaphore_mem>>
        tpu.enqueue_dma source(%arg2 : memref<100352xf32, #tpu.memory_space<hbm>>) target(%arg9 : memref<100352xf32, #tpu.memory_space<vmem_shared>>) target_semaphore(%run_scoped3A : memref<!tpu.dma_semaphore, #tpu.memory_space<semaphore_mem>>)
        tpu.wait_dma2 semaphore(%run_scoped3A : memref<!tpu.dma_semaphore, #tpu.memory_space<semaphore_mem>>) src(%arg2 : memref<100352xf32, #tpu.memory_space<hbm>>) dst(%arg9 : memref<100352xf32, #tpu.memory_space<vmem_shared>>)
        tpu.yield
      }) : () -> ()
    } else {
    }
    %barrier3A = arith.constant 0 : index
    tpu.barrier barrier_id(%barrier3A)
    "tpu.region"() ({
      %run_scoped3A = tpu.sem_alloc : memref<!tpu.dma_semaphore, #tpu.memory_space<semaphore_mem>>
      tpu.enqueue_dma source(%arg9 : memref<100352xf32, #tpu.memory_space<vmem_shared>>) target(%arg8 : memref<100352xf32, #tpu.memory_space<vmem>>) target_semaphore(%run_scoped3A : memref<!tpu.dma_semaphore, #tpu.memory_space<semaphore_mem>>)
      tpu.wait_dma2 semaphore(%run_scoped3A : memref<!tpu.dma_semaphore, #tpu.memory_space<semaphore_mem>>) src(%arg9 : memref<100352xf32, #tpu.memory_space<vmem_shared>>) dst(%arg8 : memref<100352xf32, #tpu.memory_space<vmem>>)
      tpu.yield
    }) : () -> ()
    %scan3A = arith.constant 0 : i32
    %scan3A_38 = arith.constant 25 : i32
    %scan3A_39 = arith.addi %scan3A, %scan3A_38 : i32
    %scan3A_40 = arith.constant 1 : i32
    scf.for %scan3A_65 = %scan3A to %scan3A_39 step %scan3A_40  : i32 {
      %mul3A_66 = arith.constant 2 : i32
      %mul3A_67 = arith.muli %scan3A_65, %mul3A_66 : i32
      %add3A_68 = arith.constant 0 : i32
      %add3A_69 = arith.addi %add3A_68, %mul3A_67 : i32
      %add3A_70 = arith.constant 0 : i32
      %add3A_71 = arith.addi %add3A_69, %add3A_70 : i32
      %mul3A_72 = arith.constant 2000 : i32
      %mul3A_73 = arith.muli %add3A_71, %mul3A_72 : i32
      %add3A_74 = arith.addi %mul3A_2, %mul3A_73 : i32
      %dma_wait3A_75 = arith.constant 0 : i32
      %dma_wait3A_76 = tpu.memref_slice %arg3[%add3A_74] : memref<3200000xi32, #tpu.memory_space<hbm>> -> memref<2000xi32, #tpu.memory_space<hbm>>
      %dma_wait3A_77 = tpu.memref_slice %arg20[%dma_wait3A_75] : memref<2x!tpu.dma_semaphore, #tpu.memory_space<semaphore_mem>> -> memref<1x!tpu.dma_semaphore, #tpu.memory_space<semaphore_mem>>
      %dma_wait3A_78 = tpu.memref_squeeze %dma_wait3A_77 : memref<1x!tpu.dma_semaphore, #tpu.memory_space<semaphore_mem>> -> memref<!tpu.dma_semaphore, #tpu.memory_space<semaphore_mem>>
      %dma_wait3A_79 = tpu.memref_slice %arg3[%add3A_74] : memref<3200000xi32, #tpu.memory_space<hbm>> -> memref<2000xi32, #tpu.memory_space<hbm>>
      tpu.wait_dma2 semaphore(%dma_wait3A_78 : memref<!tpu.dma_semaphore, #tpu.memory_space<semaphore_mem>>) src(%dma_wait3A_79 : memref<2000xi32, #tpu.memory_space<hbm>>) dst(%arg10 : memref<2000xi32, #tpu.memory_space<vmem>>)
      %dma_wait3A_80 = arith.constant 0 : i32
      %dma_wait3A_81 = tpu.memref_slice %arg4[%add3A_74] : memref<3200000xi32, #tpu.memory_space<hbm>> -> memref<2000xi32, #tpu.memory_space<hbm>>
      %dma_wait3A_82 = tpu.memref_slice %arg20[%dma_wait3A_80] : memref<2x!tpu.dma_semaphore, #tpu.memory_space<semaphore_mem>> -> memref<1x!tpu.dma_semaphore, #tpu.memory_space<semaphore_mem>>
      %dma_wait3A_83 = tpu.memref_squeeze %dma_wait3A_82 : memref<1x!tpu.dma_semaphore, #tpu.memory_space<semaphore_mem>> -> memref<!tpu.dma_semaphore, #tpu.memory_space<semaphore_mem>>
      %dma_wait3A_84 = tpu.memref_slice %arg4[%add3A_74] : memref<3200000xi32, #tpu.memory_space<hbm>> -> memref<2000xi32, #tpu.memory_space<hbm>>
      tpu.wait_dma2 semaphore(%dma_wait3A_83 : memref<!tpu.dma_semaphore, #tpu.memory_space<semaphore_mem>>) src(%dma_wait3A_84 : memref<2000xi32, #tpu.memory_space<hbm>>) dst(%arg12 : memref<2000xi32, #tpu.memory_space<vmem>>)
      %dma_wait3A_85 = arith.constant 0 : i32
      %dma_wait3A_86 = tpu.memref_slice %arg5[%add3A_74] : memref<3200000xf32, #tpu.memory_space<hbm>> -> memref<2000xf32, #tpu.memory_space<hbm>>
      %dma_wait3A_87 = tpu.memref_slice %arg20[%dma_wait3A_85] : memref<2x!tpu.dma_semaphore, #tpu.memory_space<semaphore_mem>> -> memref<1x!tpu.dma_semaphore, #tpu.memory_space<semaphore_mem>>
      %dma_wait3A_88 = tpu.memref_squeeze %dma_wait3A_87 : memref<1x!tpu.dma_semaphore, #tpu.memory_space<semaphore_mem>> -> memref<!tpu.dma_semaphore, #tpu.memory_space<semaphore_mem>>
      %dma_wait3A_89 = tpu.memref_slice %arg5[%add3A_74] : memref<3200000xf32, #tpu.memory_space<hbm>> -> memref<2000xf32, #tpu.memory_space<hbm>>
      tpu.wait_dma2 semaphore(%dma_wait3A_88 : memref<!tpu.dma_semaphore, #tpu.memory_space<semaphore_mem>>) src(%dma_wait3A_89 : memref<2000xf32, #tpu.memory_space<hbm>>) dst(%arg14 : memref<2000xf32, #tpu.memory_space<vmem>>)
      %ge3A = arith.constant 2 : i32
      %ge3A_90 = arith.cmpi sge, %add3A_71, %ge3A : i32
      %convert_element_type3A_91 = arith.extui %ge3A_90 : i1 to i32
      %cond3A_92 = arith.constant 0 : i32
      %cond3A_93 = arith.cmpi ne, %convert_element_type3A_91, %cond3A_92 : i32
      scf.if %cond3A_93 {
        %sub3A = arith.constant 2 : i32
        %sub3A_163 = arith.subi %add3A_71, %sub3A : i32
        %mul3A_164 = arith.constant 2000 : i32
        %mul3A_165 = arith.muli %sub3A_163, %mul3A_164 : i32
        %add3A_166 = arith.addi %mul3A_2, %mul3A_165 : i32
        %dma_wait3A_167 = arith.constant 0 : i32
        %dma_wait3A_168 = tpu.memref_slice %arg6[%add3A_166] : memref<3200000xf32, #tpu.memory_space<hbm>> -> memref<2000xf32, #tpu.memory_space<hbm>>
        %dma_wait3A_169 = tpu.memref_slice %arg21[%dma_wait3A_167] : memref<2x!tpu.dma_semaphore, #tpu.memory_space<semaphore_mem>> -> memref<1x!tpu.dma_semaphore, #tpu.memory_space<semaphore_mem>>
        %dma_wait3A_170 = tpu.memref_squeeze %dma_wait3A_169 : memref<1x!tpu.dma_semaphore, #tpu.memory_space<semaphore_mem>> -> memref<!tpu.dma_semaphore, #tpu.memory_space<semaphore_mem>>
        %dma_wait3A_171 = tpu.memref_slice %arg6[%add3A_166] : memref<3200000xf32, #tpu.memory_space<hbm>> -> memref<2000xf32, #tpu.memory_space<hbm>>
        tpu.wait_dma2 semaphore(%dma_wait3A_170 : memref<!tpu.dma_semaphore, #tpu.memory_space<semaphore_mem>>) src(%arg16 : memref<2000xf32, #tpu.memory_space<vmem>>) dst(%dma_wait3A_171 : memref<2000xf32, #tpu.memory_space<hbm>>)
        %dma_wait3A_172 = arith.constant 0 : i32
        %dma_wait3A_173 = tpu.memref_slice %arg7[%add3A_166] : memref<3200000xf32, #tpu.memory_space<hbm>> -> memref<2000xf32, #tpu.memory_space<hbm>>
        %dma_wait3A_174 = tpu.memref_slice %arg21[%dma_wait3A_172] : memref<2x!tpu.dma_semaphore, #tpu.memory_space<semaphore_mem>> -> memref<1x!tpu.dma_semaphore, #tpu.memory_space<semaphore_mem>>
        %dma_wait3A_175 = tpu.memref_squeeze %dma_wait3A_174 : memref<1x!tpu.dma_semaphore, #tpu.memory_space<semaphore_mem>> -> memref<!tpu.dma_semaphore, #tpu.memory_space<semaphore_mem>>
        %dma_wait3A_176 = tpu.memref_slice %arg7[%add3A_166] : memref<3200000xf32, #tpu.memory_space<hbm>> -> memref<2000xf32, #tpu.memory_space<hbm>>
        tpu.wait_dma2 semaphore(%dma_wait3A_175 : memref<!tpu.dma_semaphore, #tpu.memory_space<semaphore_mem>>) src(%arg18 : memref<2000xf32, #tpu.memory_space<vmem>>) dst(%dma_wait3A_176 : memref<2000xf32, #tpu.memory_space<hbm>>)
      } else {
      }
      %parallel_loop3A = arith.constant 0 : i32
      %parallel_loop3A_94 = arith.constant 125 : i32
      %parallel_loop3A_95 = arith.constant 1 : i32
      scf.for %parallel_loop3A_163 = %parallel_loop3A to %parallel_loop3A_94 step %parallel_loop3A_95  : i32 {
        %parallel_loop3A_164 = arith.constant 16 : i32
        %parallel_loop3A_165 = arith.muli %parallel_loop3A_163, %parallel_loop3A_164 : i32
        %parallel_loop3A_166 = arith.index_cast %parallel_loop3A_165 : i32 to index
        %parallel_loop3A_167 = tpu.vector_load %arg10[%parallel_loop3A_166] {strides = array<i32>} : memref<2000xi32, #tpu.memory_space<vmem>>, vector<16xi32>,
        %parallel_loop3A_168 = tpu.vector_load_idx %arg8[%parallel_loop3A_167] : memref<100352xf32, #tpu.memory_space<vmem>>[vector<16xi32>], vector<16xf32>,
        %parallel_loop3A_169 = arith.index_cast %parallel_loop3A_165 : i32 to index
        %parallel_loop3A_170 = tpu.vector_load %arg12[%parallel_loop3A_169] {strides = array<i32>} : memref<2000xi32, #tpu.memory_space<vmem>>, vector<16xi32>,
        %parallel_loop3A_171 = tpu.vector_load_idx %arg8[%parallel_loop3A_170] : memref<100352xf32, #tpu.memory_space<vmem>>[vector<16xi32>], vector<16xf32>,
        %parallel_loop3A_172 = arith.index_cast %parallel_loop3A_165 : i32 to index
        %parallel_loop3A_173 = tpu.vector_load %arg14[%parallel_loop3A_172] {strides = array<i32>} : memref<2000xf32, #tpu.memory_space<vmem>>, vector<16xf32>,
        %parallel_loop3A_174 = arith.mulf %parallel_loop3A_173, %parallel_loop3A_173 : vector<16xf32>
        %parallel_loop3A_175 = arith.mulf %parallel_loop3A_174, %parallel_loop3A_173 : vector<16xf32>
        %parallel_loop3A_176 = arith.mulf %parallel_loop3A_175, %parallel_loop3A_168 : vector<16xf32>
        %parallel_loop3A_177 = arith.mulf %parallel_loop3A_176, %parallel_loop3A_171 : vector<16xf32>
        %parallel_loop3A_178 = arith.constant 0.000000e+00 : f32
        %parallel_loop3A_179 = vector.broadcast %parallel_loop3A_178 : f32 to vector<16xf32>
        %parallel_loop3A_180 = arith.subf %parallel_loop3A_179, %parallel_loop3A_177 : vector<16xf32>
        %parallel_loop3A_181 = math.exp %parallel_loop3A_180 : vector<16xf32>
        %parallel_loop3A_182 = arith.constant 1.000000e+00 : f32
        %parallel_loop3A_183 = vector.broadcast %parallel_loop3A_182 : f32 to vector<16xf32>
        %parallel_loop3A_184 = arith.subf %parallel_loop3A_183, %parallel_loop3A_181 : vector<16xf32>
        %parallel_loop3A_185 = arith.index_cast %parallel_loop3A_165 : i32 to index
        %parallel_loop3A_186 = tpu.vector_load %arg16[%parallel_loop3A_185] {strides = array<i32>} : memref<2000xf32, #tpu.memory_space<vmem>>, vector<16xf32>,
        tpu.vector_store %arg16[%parallel_loop3A_185], %parallel_loop3A_184 {strides = array<i32>} : memref<2000xf32, #tpu.memory_space<vmem>>, vector<16xf32>,
        %parallel_loop3A_187 = arith.mulf %parallel_loop3A_177, %parallel_loop3A_181 : vector<16xf32>
        %parallel_loop3A_188 = arith.subf %parallel_loop3A_184, %parallel_loop3A_187 : vector<16xf32>
        %parallel_loop3A_189 = arith.index_cast %parallel_loop3A_165 : i32 to index
        %parallel_loop3A_190 = tpu.vector_load %arg18[%parallel_loop3A_189] {strides = array<i32>} : memref<2000xf32, #tpu.memory_space<vmem>>, vector<16xf32>,
        tpu.vector_store %arg18[%parallel_loop3A_189], %parallel_loop3A_188 {strides = array<i32>} : memref<2000xf32, #tpu.memory_space<vmem>>, vector<16xf32>,
      } {sc.loop_unroll_factor = 5 : i64, sc.parallel_access}
      %mul3A_96 = arith.constant 2000 : i32
      %mul3A_97 = arith.muli %add3A_71, %mul3A_96 : i32
      %add3A_98 = arith.addi %mul3A_2, %mul3A_97 : i32
      %dma_start3A_99 = arith.constant 0 : i32
      %dma_start3A_100 = tpu.memref_slice %arg6[%add3A_98] : memref<3200000xf32, #tpu.memory_space<hbm>> -> memref<2000xf32, #tpu.memory_space<hbm>>
      %dma_start3A_101 = tpu.memref_slice %arg21[%dma_start3A_99] : memref<2x!tpu.dma_semaphore, #tpu.memory_space<semaphore_mem>> -> memref<1x!tpu.dma_semaphore, #tpu.memory_space<semaphore_mem>>
      %dma_start3A_102 = tpu.memref_squeeze %dma_start3A_101 : memref<1x!tpu.dma_semaphore, #tpu.memory_space<semaphore_mem>> -> memref<!tpu.dma_semaphore, #tpu.memory_space<semaphore_mem>>
      %dma_start3A_103 = tpu.memref_slice %arg6[%add3A_98] : memref<3200000xf32, #tpu.memory_space<hbm>> -> memref<2000xf32, #tpu.memory_space<hbm>>
      tpu.enqueue_dma source(%arg16 : memref<2000xf32, #tpu.memory_space<vmem>>) target(%dma_start3A_103 : memref<2000xf32, #tpu.memory_space<hbm>>) target_semaphore(%dma_start3A_102 : memref<!tpu.dma_semaphore, #tpu.memory_space<semaphore_mem>>)
      %dma_start3A_104 = arith.constant 0 : i32
      %dma_start3A_105 = tpu.memref_slice %arg7[%add3A_98] : memref<3200000xf32, #tpu.memory_space<hbm>> -> memref<2000xf32, #tpu.memory_space<hbm>>
      %dma_start3A_106 = tpu.memref_slice %arg21[%dma_start3A_104] : memref<2x!tpu.dma_semaphore, #tpu.memory_space<semaphore_mem>> -> memref<1x!tpu.dma_semaphore, #tpu.memory_space<semaphore_mem>>
      %dma_start3A_107 = tpu.memref_squeeze %dma_start3A_106 : memref<1x!tpu.dma_semaphore, #tpu.memory_space<semaphore_mem>> -> memref<!tpu.dma_semaphore, #tpu.memory_space<semaphore_mem>>
      %dma_start3A_108 = tpu.memref_slice %arg7[%add3A_98] : memref<3200000xf32, #tpu.memory_space<hbm>> -> memref<2000xf32, #tpu.memory_space<hbm>>
      tpu.enqueue_dma source(%arg18 : memref<2000xf32, #tpu.memory_space<vmem>>) target(%dma_start3A_108 : memref<2000xf32, #tpu.memory_space<hbm>>) target_semaphore(%dma_start3A_107 : memref<!tpu.dma_semaphore, #tpu.memory_space<semaphore_mem>>)
      %add3A_109 = arith.constant 2 : i32
      %add3A_110 = arith.addi %add3A_71, %add3A_109 : i32
      %lt3A = arith.constant 50 : i32
      %lt3A_111 = arith.cmpi slt, %add3A_110, %lt3A : i32
      %convert_element_type3A_112 = arith.extui %lt3A_111 : i1 to i32
      %cond3A_113 = arith.constant 0 : i32
      %cond3A_114 = arith.cmpi ne, %convert_element_type3A_112, %cond3A_113 : i32
      scf.if %cond3A_114 {
        %add3A_163 = arith.constant 2 : i32
        %add3A_164 = arith.addi %add3A_71, %add3A_163 : i32
        %mul3A_165 = arith.constant 2000 : i32
        %mul3A_166 = arith.muli %add3A_164, %mul3A_165 : i32
        %add3A_167 = arith.addi %mul3A_2, %mul3A_166 : i32
        %dma_start3A_168 = arith.constant 0 : i32
        %dma_start3A_169 = tpu.memref_slice %arg3[%add3A_167] : memref<3200000xi32, #tpu.memory_space<hbm>> -> memref<2000xi32, #tpu.memory_space<hbm>>
        %dma_start3A_170 = tpu.memref_slice %arg20[%dma_start3A_168] : memref<2x!tpu.dma_semaphore, #tpu.memory_space<semaphore_mem>> -> memref<1x!tpu.dma_semaphore, #tpu.memory_space<semaphore_mem>>
        %dma_start3A_171 = tpu.memref_squeeze %dma_start3A_170 : memref<1x!tpu.dma_semaphore, #tpu.memory_space<semaphore_mem>> -> memref<!tpu.dma_semaphore, #tpu.memory_space<semaphore_mem>>
        %dma_start3A_172 = tpu.memref_slice %arg3[%add3A_167] : memref<3200000xi32, #tpu.memory_space<hbm>> -> memref<2000xi32, #tpu.memory_space<hbm>>
        tpu.enqueue_dma source(%dma_start3A_172 : memref<2000xi32, #tpu.memory_space<hbm>>) target(%arg10 : memref<2000xi32, #tpu.memory_space<vmem>>) target_semaphore(%dma_start3A_171 : memref<!tpu.dma_semaphore, #tpu.memory_space<semaphore_mem>>)
        %dma_start3A_173 = arith.constant 0 : i32
        %dma_start3A_174 = tpu.memref_slice %arg4[%add3A_167] : memref<3200000xi32, #tpu.memory_space<hbm>> -> memref<2000xi32, #tpu.memory_space<hbm>>
        %dma_start3A_175 = tpu.memref_slice %arg20[%dma_start3A_173] : memref<2x!tpu.dma_semaphore, #tpu.memory_space<semaphore_mem>> -> memref<1x!tpu.dma_semaphore, #tpu.memory_space<semaphore_mem>>
        %dma_start3A_176 = tpu.memref_squeeze %dma_start3A_175 : memref<1x!tpu.dma_semaphore, #tpu.memory_space<semaphore_mem>> -> memref<!tpu.dma_semaphore, #tpu.memory_space<semaphore_mem>>
        %dma_start3A_177 = tpu.memref_slice %arg4[%add3A_167] : memref<3200000xi32, #tpu.memory_space<hbm>> -> memref<2000xi32, #tpu.memory_space<hbm>>
        tpu.enqueue_dma source(%dma_start3A_177 : memref<2000xi32, #tpu.memory_space<hbm>>) target(%arg12 : memref<2000xi32, #tpu.memory_space<vmem>>) target_semaphore(%dma_start3A_176 : memref<!tpu.dma_semaphore, #tpu.memory_space<semaphore_mem>>)
        %dma_start3A_178 = arith.constant 0 : i32
        %dma_start3A_179 = tpu.memref_slice %arg5[%add3A_167] : memref<3200000xf32, #tpu.memory_space<hbm>> -> memref<2000xf32, #tpu.memory_space<hbm>>
        %dma_start3A_180 = tpu.memref_slice %arg20[%dma_start3A_178] : memref<2x!tpu.dma_semaphore, #tpu.memory_space<semaphore_mem>> -> memref<1x!tpu.dma_semaphore, #tpu.memory_space<semaphore_mem>>
        %dma_start3A_181 = tpu.memref_squeeze %dma_start3A_180 : memref<1x!tpu.dma_semaphore, #tpu.memory_space<semaphore_mem>> -> memref<!tpu.dma_semaphore, #tpu.memory_space<semaphore_mem>>
        %dma_start3A_182 = tpu.memref_slice %arg5[%add3A_167] : memref<3200000xf32, #tpu.memory_space<hbm>> -> memref<2000xf32, #tpu.memory_space<hbm>>
        tpu.enqueue_dma source(%dma_start3A_182 : memref<2000xf32, #tpu.memory_space<hbm>>) target(%arg14 : memref<2000xf32, #tpu.memory_space<vmem>>) target_semaphore(%dma_start3A_181 : memref<!tpu.dma_semaphore, #tpu.memory_space<semaphore_mem>>)
      } else {
      }
      %add3A_115 = arith.constant 1 : i32
      %add3A_116 = arith.addi %add3A_69, %add3A_115 : i32
      %mul3A_117 = arith.constant 2000 : i32
      %mul3A_118 = arith.muli %add3A_116, %mul3A_117 : i32
      %add3A_119 = arith.addi %mul3A_2, %mul3A_118 : i32
      %dma_wait3A_120 = arith.constant 1 : i32
      %dma_wait3A_121 = tpu.memref_slice %arg3[%add3A_119] : memref<3200000xi32, #tpu.memory_space<hbm>> -> memref<2000xi32, #tpu.memory_space<hbm>>
      %dma_wait3A_122 = tpu.memref_slice %arg20[%dma_wait3A_120] : memref<2x!tpu.dma_semaphore, #tpu.memory_space<semaphore_mem>> -> memref<1x!tpu.dma_semaphore, #tpu.memory_space<semaphore_mem>>
      %dma_wait3A_123 = tpu.memref_squeeze %dma_wait3A_122 : memref<1x!tpu.dma_semaphore, #tpu.memory_space<semaphore_mem>> -> memref<!tpu.dma_semaphore, #tpu.memory_space<semaphore_mem>>
      %dma_wait3A_124 = tpu.memref_slice %arg3[%add3A_119] : memref<3200000xi32, #tpu.memory_space<hbm>> -> memref<2000xi32, #tpu.memory_space<hbm>>
      tpu.wait_dma2 semaphore(%dma_wait3A_123 : memref<!tpu.dma_semaphore, #tpu.memory_space<semaphore_mem>>) src(%dma_wait3A_124 : memref<2000xi32, #tpu.memory_space<hbm>>) dst(%arg11 : memref<2000xi32, #tpu.memory_space<vmem>>)
      %dma_wait3A_125 = arith.constant 1 : i32
      %dma_wait3A_126 = tpu.memref_slice %arg4[%add3A_119] : memref<3200000xi32, #tpu.memory_space<hbm>> -> memref<2000xi32, #tpu.memory_space<hbm>>
      %dma_wait3A_127 = tpu.memref_slice %arg20[%dma_wait3A_125] : memref<2x!tpu.dma_semaphore, #tpu.memory_space<semaphore_mem>> -> memref<1x!tpu.dma_semaphore, #tpu.memory_space<semaphore_mem>>
      %dma_wait3A_128 = tpu.memref_squeeze %dma_wait3A_127 : memref<1x!tpu.dma_semaphore, #tpu.memory_space<semaphore_mem>> -> memref<!tpu.dma_semaphore, #tpu.memory_space<semaphore_mem>>
      %dma_wait3A_129 = tpu.memref_slice %arg4[%add3A_119] : memref<3200000xi32, #tpu.memory_space<hbm>> -> memref<2000xi32, #tpu.memory_space<hbm>>
      tpu.wait_dma2 semaphore(%dma_wait3A_128 : memref<!tpu.dma_semaphore, #tpu.memory_space<semaphore_mem>>) src(%dma_wait3A_129 : memref<2000xi32, #tpu.memory_space<hbm>>) dst(%arg13 : memref<2000xi32, #tpu.memory_space<vmem>>)
      %dma_wait3A_130 = arith.constant 1 : i32
      %dma_wait3A_131 = tpu.memref_slice %arg5[%add3A_119] : memref<3200000xf32, #tpu.memory_space<hbm>> -> memref<2000xf32, #tpu.memory_space<hbm>>
      %dma_wait3A_132 = tpu.memref_slice %arg20[%dma_wait3A_130] : memref<2x!tpu.dma_semaphore, #tpu.memory_space<semaphore_mem>> -> memref<1x!tpu.dma_semaphore, #tpu.memory_space<semaphore_mem>>
      %dma_wait3A_133 = tpu.memref_squeeze %dma_wait3A_132 : memref<1x!tpu.dma_semaphore, #tpu.memory_space<semaphore_mem>> -> memref<!tpu.dma_semaphore, #tpu.memory_space<semaphore_mem>>
      %dma_wait3A_134 = tpu.memref_slice %arg5[%add3A_119] : memref<3200000xf32, #tpu.memory_space<hbm>> -> memref<2000xf32, #tpu.memory_space<hbm>>
      tpu.wait_dma2 semaphore(%dma_wait3A_133 : memref<!tpu.dma_semaphore, #tpu.memory_space<semaphore_mem>>) src(%dma_wait3A_134 : memref<2000xf32, #tpu.memory_space<hbm>>) dst(%arg15 : memref<2000xf32, #tpu.memory_space<vmem>>)
      %ge3A_135 = arith.constant 2 : i32
      %ge3A_136 = arith.cmpi sge, %add3A_116, %ge3A_135 : i32
      %convert_element_type3A_137 = arith.extui %ge3A_136 : i1 to i32
      %cond3A_138 = arith.constant 0 : i32
      %cond3A_139 = arith.cmpi ne, %convert_element_type3A_137, %cond3A_138 : i32
      scf.if %cond3A_139 {
        %sub3A = arith.constant 2 : i32
        %sub3A_163 = arith.subi %add3A_116, %sub3A : i32
        %mul3A_164 = arith.constant 2000 : i32
        %mul3A_165 = arith.muli %sub3A_163, %mul3A_164 : i32
        %add3A_166 = arith.addi %mul3A_2, %mul3A_165 : i32
        %dma_wait3A_167 = arith.constant 1 : i32
        %dma_wait3A_168 = tpu.memref_slice %arg6[%add3A_166] : memref<3200000xf32, #tpu.memory_space<hbm>> -> memref<2000xf32, #tpu.memory_space<hbm>>
        %dma_wait3A_169 = tpu.memref_slice %arg21[%dma_wait3A_167] : memref<2x!tpu.dma_semaphore, #tpu.memory_space<semaphore_mem>> -> memref<1x!tpu.dma_semaphore, #tpu.memory_space<semaphore_mem>>
        %dma_wait3A_170 = tpu.memref_squeeze %dma_wait3A_169 : memref<1x!tpu.dma_semaphore, #tpu.memory_space<semaphore_mem>> -> memref<!tpu.dma_semaphore, #tpu.memory_space<semaphore_mem>>
        %dma_wait3A_171 = tpu.memref_slice %arg6[%add3A_166] : memref<3200000xf32, #tpu.memory_space<hbm>> -> memref<2000xf32, #tpu.memory_space<hbm>>
        tpu.wait_dma2 semaphore(%dma_wait3A_170 : memref<!tpu.dma_semaphore, #tpu.memory_space<semaphore_mem>>) src(%arg17 : memref<2000xf32, #tpu.memory_space<vmem>>) dst(%dma_wait3A_171 : memref<2000xf32, #tpu.memory_space<hbm>>)
        %dma_wait3A_172 = arith.constant 1 : i32
        %dma_wait3A_173 = tpu.memref_slice %arg7[%add3A_166] : memref<3200000xf32, #tpu.memory_space<hbm>> -> memref<2000xf32, #tpu.memory_space<hbm>>
        %dma_wait3A_174 = tpu.memref_slice %arg21[%dma_wait3A_172] : memref<2x!tpu.dma_semaphore, #tpu.memory_space<semaphore_mem>> -> memref<1x!tpu.dma_semaphore, #tpu.memory_space<semaphore_mem>>
        %dma_wait3A_175 = tpu.memref_squeeze %dma_wait3A_174 : memref<1x!tpu.dma_semaphore, #tpu.memory_space<semaphore_mem>> -> memref<!tpu.dma_semaphore, #tpu.memory_space<semaphore_mem>>
        %dma_wait3A_176 = tpu.memref_slice %arg7[%add3A_166] : memref<3200000xf32, #tpu.memory_space<hbm>> -> memref<2000xf32, #tpu.memory_space<hbm>>
        tpu.wait_dma2 semaphore(%dma_wait3A_175 : memref<!tpu.dma_semaphore, #tpu.memory_space<semaphore_mem>>) src(%arg19 : memref<2000xf32, #tpu.memory_space<vmem>>) dst(%dma_wait3A_176 : memref<2000xf32, #tpu.memory_space<hbm>>)
      } else {
      }
      %parallel_loop3A_140 = arith.constant 0 : i32
      %parallel_loop3A_141 = arith.constant 125 : i32
      %parallel_loop3A_142 = arith.constant 1 : i32
      scf.for %parallel_loop3A_163 = %parallel_loop3A_140 to %parallel_loop3A_141 step %parallel_loop3A_142  : i32 {
        %parallel_loop3A_164 = arith.constant 16 : i32
        %parallel_loop3A_165 = arith.muli %parallel_loop3A_163, %parallel_loop3A_164 : i32
        %parallel_loop3A_166 = arith.index_cast %parallel_loop3A_165 : i32 to index
        %parallel_loop3A_167 = tpu.vector_load %arg11[%parallel_loop3A_166] {strides = array<i32>} : memref<2000xi32, #tpu.memory_space<vmem>>, vector<16xi32>,
        %parallel_loop3A_168 = tpu.vector_load_idx %arg8[%parallel_loop3A_167] : memref<100352xf32, #tpu.memory_space<vmem>>[vector<16xi32>], vector<16xf32>,
        %parallel_loop3A_169 = arith.index_cast %parallel_loop3A_165 : i32 to index
        %parallel_loop3A_170 = tpu.vector_load %arg13[%parallel_loop3A_169] {strides = array<i32>} : memref<2000xi32, #tpu.memory_space<vmem>>, vector<16xi32>,
        %parallel_loop3A_171 = tpu.vector_load_idx %arg8[%parallel_loop3A_170] : memref<100352xf32, #tpu.memory_space<vmem>>[vector<16xi32>], vector<16xf32>,
        %parallel_loop3A_172 = arith.index_cast %parallel_loop3A_165 : i32 to index
        %parallel_loop3A_173 = tpu.vector_load %arg15[%parallel_loop3A_172] {strides = array<i32>} : memref<2000xf32, #tpu.memory_space<vmem>>, vector<16xf32>,
        %parallel_loop3A_174 = arith.mulf %parallel_loop3A_173, %parallel_loop3A_173 : vector<16xf32>
        %parallel_loop3A_175 = arith.mulf %parallel_loop3A_174, %parallel_loop3A_173 : vector<16xf32>
        %parallel_loop3A_176 = arith.mulf %parallel_loop3A_175, %parallel_loop3A_168 : vector<16xf32>
        %parallel_loop3A_177 = arith.mulf %parallel_loop3A_176, %parallel_loop3A_171 : vector<16xf32>
        %parallel_loop3A_178 = arith.constant 0.000000e+00 : f32
        %parallel_loop3A_179 = vector.broadcast %parallel_loop3A_178 : f32 to vector<16xf32>
        %parallel_loop3A_180 = arith.subf %parallel_loop3A_179, %parallel_loop3A_177 : vector<16xf32>
        %parallel_loop3A_181 = math.exp %parallel_loop3A_180 : vector<16xf32>
        %parallel_loop3A_182 = arith.constant 1.000000e+00 : f32
        %parallel_loop3A_183 = vector.broadcast %parallel_loop3A_182 : f32 to vector<16xf32>
        %parallel_loop3A_184 = arith.subf %parallel_loop3A_183, %parallel_loop3A_181 : vector<16xf32>
        %parallel_loop3A_185 = arith.index_cast %parallel_loop3A_165 : i32 to index
        %parallel_loop3A_186 = tpu.vector_load %arg17[%parallel_loop3A_185] {strides = array<i32>} : memref<2000xf32, #tpu.memory_space<vmem>>, vector<16xf32>,
        tpu.vector_store %arg17[%parallel_loop3A_185], %parallel_loop3A_184 {strides = array<i32>} : memref<2000xf32, #tpu.memory_space<vmem>>, vector<16xf32>,
        %parallel_loop3A_187 = arith.mulf %parallel_loop3A_177, %parallel_loop3A_181 : vector<16xf32>
        %parallel_loop3A_188 = arith.subf %parallel_loop3A_184, %parallel_loop3A_187 : vector<16xf32>
        %parallel_loop3A_189 = arith.index_cast %parallel_loop3A_165 : i32 to index
        %parallel_loop3A_190 = tpu.vector_load %arg19[%parallel_loop3A_189] {strides = array<i32>} : memref<2000xf32, #tpu.memory_space<vmem>>, vector<16xf32>,
        tpu.vector_store %arg19[%parallel_loop3A_189], %parallel_loop3A_188 {strides = array<i32>} : memref<2000xf32, #tpu.memory_space<vmem>>, vector<16xf32>,
      } {sc.loop_unroll_factor = 5 : i64, sc.parallel_access}
      %mul3A_143 = arith.constant 2000 : i32
      %mul3A_144 = arith.muli %add3A_116, %mul3A_143 : i32
      %add3A_145 = arith.addi %mul3A_2, %mul3A_144 : i32
      %dma_start3A_146 = arith.constant 1 : i32
      %dma_start3A_147 = tpu.memref_slice %arg6[%add3A_145] : memref<3200000xf32, #tpu.memory_space<hbm>> -> memref<2000xf32, #tpu.memory_space<hbm>>
      %dma_start3A_148 = tpu.memref_slice %arg21[%dma_start3A_146] : memref<2x!tpu.dma_semaphore, #tpu.memory_space<semaphore_mem>> -> memref<1x!tpu.dma_semaphore, #tpu.memory_space<semaphore_mem>>
      %dma_start3A_149 = tpu.memref_squeeze %dma_start3A_148 : memref<1x!tpu.dma_semaphore, #tpu.memory_space<semaphore_mem>> -> memref<!tpu.dma_semaphore, #tpu.memory_space<semaphore_mem>>
      %dma_start3A_150 = tpu.memref_slice %arg6[%add3A_145] : memref<3200000xf32, #tpu.memory_space<hbm>> -> memref<2000xf32, #tpu.memory_space<hbm>>
      tpu.enqueue_dma source(%arg17 : memref<2000xf32, #tpu.memory_space<vmem>>) target(%dma_start3A_150 : memref<2000xf32, #tpu.memory_space<hbm>>) target_semaphore(%dma_start3A_149 : memref<!tpu.dma_semaphore, #tpu.memory_space<semaphore_mem>>)
      %dma_start3A_151 = arith.constant 1 : i32
      %dma_start3A_152 = tpu.memref_slice %arg7[%add3A_145] : memref<3200000xf32, #tpu.memory_space<hbm>> -> memref<2000xf32, #tpu.memory_space<hbm>>
      %dma_start3A_153 = tpu.memref_slice %arg21[%dma_start3A_151] : memref<2x!tpu.dma_semaphore, #tpu.memory_space<semaphore_mem>> -> memref<1x!tpu.dma_semaphore, #tpu.memory_space<semaphore_mem>>
      %dma_start3A_154 = tpu.memref_squeeze %dma_start3A_153 : memref<1x!tpu.dma_semaphore, #tpu.memory_space<semaphore_mem>> -> memref<!tpu.dma_semaphore, #tpu.memory_space<semaphore_mem>>
      %dma_start3A_155 = tpu.memref_slice %arg7[%add3A_145] : memref<3200000xf32, #tpu.memory_space<hbm>> -> memref<2000xf32, #tpu.memory_space<hbm>>
      tpu.enqueue_dma source(%arg19 : memref<2000xf32, #tpu.memory_space<vmem>>) target(%dma_start3A_155 : memref<2000xf32, #tpu.memory_space<hbm>>) target_semaphore(%dma_start3A_154 : memref<!tpu.dma_semaphore, #tpu.memory_space<semaphore_mem>>)
      %add3A_156 = arith.constant 2 : i32
      %add3A_157 = arith.addi %add3A_116, %add3A_156 : i32
      %lt3A_158 = arith.constant 50 : i32
      %lt3A_159 = arith.cmpi slt, %add3A_157, %lt3A_158 : i32
      %convert_element_type3A_160 = arith.extui %lt3A_159 : i1 to i32
      %cond3A_161 = arith.constant 0 : i32
      %cond3A_162 = arith.cmpi ne, %convert_element_type3A_160, %cond3A_161 : i32
      scf.if %cond3A_162 {
        %add3A_163 = arith.constant 2 : i32
        %add3A_164 = arith.addi %add3A_116, %add3A_163 : i32
        %mul3A_165 = arith.constant 2000 : i32
        %mul3A_166 = arith.muli %add3A_164, %mul3A_165 : i32
        %add3A_167 = arith.addi %mul3A_2, %mul3A_166 : i32
        %dma_start3A_168 = arith.constant 1 : i32
        %dma_start3A_169 = tpu.memref_slice %arg3[%add3A_167] : memref<3200000xi32, #tpu.memory_space<hbm>> -> memref<2000xi32, #tpu.memory_space<hbm>>
        %dma_start3A_170 = tpu.memref_slice %arg20[%dma_start3A_168] : memref<2x!tpu.dma_semaphore, #tpu.memory_space<semaphore_mem>> -> memref<1x!tpu.dma_semaphore, #tpu.memory_space<semaphore_mem>>
        %dma_start3A_171 = tpu.memref_squeeze %dma_start3A_170 : memref<1x!tpu.dma_semaphore, #tpu.memory_space<semaphore_mem>> -> memref<!tpu.dma_semaphore, #tpu.memory_space<semaphore_mem>>
        %dma_start3A_172 = tpu.memref_slice %arg3[%add3A_167] : memref<3200000xi32, #tpu.memory_space<hbm>> -> memref<2000xi32, #tpu.memory_space<hbm>>
        tpu.enqueue_dma source(%dma_start3A_172 : memref<2000xi32, #tpu.memory_space<hbm>>) target(%arg11 : memref<2000xi32, #tpu.memory_space<vmem>>) target_semaphore(%dma_start3A_171 : memref<!tpu.dma_semaphore, #tpu.memory_space<semaphore_mem>>)
        %dma_start3A_173 = arith.constant 1 : i32
        %dma_start3A_174 = tpu.memref_slice %arg4[%add3A_167] : memref<3200000xi32, #tpu.memory_space<hbm>> -> memref<2000xi32, #tpu.memory_space<hbm>>
        %dma_start3A_175 = tpu.memref_slice %arg20[%dma_start3A_173] : memref<2x!tpu.dma_semaphore, #tpu.memory_space<semaphore_mem>> -> memref<1x!tpu.dma_semaphore, #tpu.memory_space<semaphore_mem>>
        %dma_start3A_176 = tpu.memref_squeeze %dma_start3A_175 : memref<1x!tpu.dma_semaphore, #tpu.memory_space<semaphore_mem>> -> memref<!tpu.dma_semaphore, #tpu.memory_space<semaphore_mem>>
        %dma_start3A_177 = tpu.memref_slice %arg4[%add3A_167] : memref<3200000xi32, #tpu.memory_space<hbm>> -> memref<2000xi32, #tpu.memory_space<hbm>>
        tpu.enqueue_dma source(%dma_start3A_177 : memref<2000xi32, #tpu.memory_space<hbm>>) target(%arg13 : memref<2000xi32, #tpu.memory_space<vmem>>) target_semaphore(%dma_start3A_176 : memref<!tpu.dma_semaphore, #tpu.memory_space<semaphore_mem>>)
        %dma_start3A_178 = arith.constant 1 : i32
        %dma_start3A_179 = tpu.memref_slice %arg5[%add3A_167] : memref<3200000xf32, #tpu.memory_space<hbm>> -> memref<2000xf32, #tpu.memory_space<hbm>>
        %dma_start3A_180 = tpu.memref_slice %arg20[%dma_start3A_178] : memref<2x!tpu.dma_semaphore, #tpu.memory_space<semaphore_mem>> -> memref<1x!tpu.dma_semaphore, #tpu.memory_space<semaphore_mem>>
        %dma_start3A_181 = tpu.memref_squeeze %dma_start3A_180 : memref<1x!tpu.dma_semaphore, #tpu.memory_space<semaphore_mem>> -> memref<!tpu.dma_semaphore, #tpu.memory_space<semaphore_mem>>
        %dma_start3A_182 = tpu.memref_slice %arg5[%add3A_167] : memref<3200000xf32, #tpu.memory_space<hbm>> -> memref<2000xf32, #tpu.memory_space<hbm>>
        tpu.enqueue_dma source(%dma_start3A_182 : memref<2000xf32, #tpu.memory_space<hbm>>) target(%arg15 : memref<2000xf32, #tpu.memory_space<vmem>>) target_semaphore(%dma_start3A_181 : memref<!tpu.dma_semaphore, #tpu.memory_space<semaphore_mem>>)
      } else {
      }
    }
    %scan3A_41 = arith.constant 25 : i32
    %add3A_42 = arith.constant 96000 : i32
    %add3A_43 = arith.addi %mul3A_2, %add3A_42 : i32
    %dma_wait3A = arith.constant 0 : i32
    %dma_wait3A_44 = tpu.memref_slice %arg6[%add3A_43] : memref<3200000xf32, #tpu.memory_space<hbm>> -> memref<2000xf32, #tpu.memory_space<hbm>>
    %dma_wait3A_45 = tpu.memref_slice %arg21[%dma_wait3A] : memref<2x!tpu.dma_semaphore, #tpu.memory_space<semaphore_mem>> -> memref<1x!tpu.dma_semaphore, #tpu.memory_space<semaphore_mem>>
    %dma_wait3A_46 = tpu.memref_squeeze %dma_wait3A_45 : memref<1x!tpu.dma_semaphore, #tpu.memory_space<semaphore_mem>> -> memref<!tpu.dma_semaphore, #tpu.memory_space<semaphore_mem>>
    %dma_wait3A_47 = tpu.memref_slice %arg6[%add3A_43] : memref<3200000xf32, #tpu.memory_space<hbm>> -> memref<2000xf32, #tpu.memory_space<hbm>>
    tpu.wait_dma2 semaphore(%dma_wait3A_46 : memref<!tpu.dma_semaphore, #tpu.memory_space<semaphore_mem>>) src(%arg16 : memref<2000xf32, #tpu.memory_space<vmem>>) dst(%dma_wait3A_47 : memref<2000xf32, #tpu.memory_space<hbm>>)
    %dma_wait3A_48 = arith.constant 0 : i32
    %dma_wait3A_49 = tpu.memref_slice %arg7[%add3A_43] : memref<3200000xf32, #tpu.memory_space<hbm>> -> memref<2000xf32, #tpu.memory_space<hbm>>
    %dma_wait3A_50 = tpu.memref_slice %arg21[%dma_wait3A_48] : memref<2x!tpu.dma_semaphore, #tpu.memory_space<semaphore_mem>> -> memref<1x!tpu.dma_semaphore, #tpu.memory_space<semaphore_mem>>
    %dma_wait3A_51 = tpu.memref_squeeze %dma_wait3A_50 : memref<1x!tpu.dma_semaphore, #tpu.memory_space<semaphore_mem>> -> memref<!tpu.dma_semaphore, #tpu.memory_space<semaphore_mem>>
    %dma_wait3A_52 = tpu.memref_slice %arg7[%add3A_43] : memref<3200000xf32, #tpu.memory_space<hbm>> -> memref<2000xf32, #tpu.memory_space<hbm>>
    tpu.wait_dma2 semaphore(%dma_wait3A_51 : memref<!tpu.dma_semaphore, #tpu.memory_space<semaphore_mem>>) src(%arg18 : memref<2000xf32, #tpu.memory_space<vmem>>) dst(%dma_wait3A_52 : memref<2000xf32, #tpu.memory_space<hbm>>)
    %add3A_53 = arith.constant 98000 : i32
    %add3A_54 = arith.addi %mul3A_2, %add3A_53 : i32
    %dma_wait3A_55 = arith.constant 1 : i32
    %dma_wait3A_56 = tpu.memref_slice %arg6[%add3A_54] : memref<3200000xf32, #tpu.memory_space<hbm>> -> memref<2000xf32, #tpu.memory_space<hbm>>
    %dma_wait3A_57 = tpu.memref_slice %arg21[%dma_wait3A_55] : memref<2x!tpu.dma_semaphore, #tpu.memory_space<semaphore_mem>> -> memref<1x!tpu.dma_semaphore, #tpu.memory_space<semaphore_mem>>
    %dma_wait3A_58 = tpu.memref_squeeze %dma_wait3A_57 : memref<1x!tpu.dma_semaphore, #tpu.memory_space<semaphore_mem>> -> memref<!tpu.dma_semaphore, #tpu.memory_space<semaphore_mem>>
    %dma_wait3A_59 = tpu.memref_slice %arg6[%add3A_54] : memref<3200000xf32, #tpu.memory_space<hbm>> -> memref<2000xf32, #tpu.memory_space<hbm>>
    tpu.wait_dma2 semaphore(%dma_wait3A_58 : memref<!tpu.dma_semaphore, #tpu.memory_space<semaphore_mem>>) src(%arg17 : memref<2000xf32, #tpu.memory_space<vmem>>) dst(%dma_wait3A_59 : memref<2000xf32, #tpu.memory_space<hbm>>)
    %dma_wait3A_60 = arith.constant 1 : i32
    %dma_wait3A_61 = tpu.memref_slice %arg7[%add3A_54] : memref<3200000xf32, #tpu.memory_space<hbm>> -> memref<2000xf32, #tpu.memory_space<hbm>>
    %dma_wait3A_62 = tpu.memref_slice %arg21[%dma_wait3A_60] : memref<2x!tpu.dma_semaphore, #tpu.memory_space<semaphore_mem>> -> memref<1x!tpu.dma_semaphore, #tpu.memory_space<semaphore_mem>>
    %dma_wait3A_63 = tpu.memref_squeeze %dma_wait3A_62 : memref<1x!tpu.dma_semaphore, #tpu.memory_space<semaphore_mem>> -> memref<!tpu.dma_semaphore, #tpu.memory_space<semaphore_mem>>
    %dma_wait3A_64 = tpu.memref_slice %arg7[%add3A_54] : memref<3200000xf32, #tpu.memory_space<hbm>> -> memref<2000xf32, #tpu.memory_space<hbm>>
    tpu.wait_dma2 semaphore(%dma_wait3A_63 : memref<!tpu.dma_semaphore, #tpu.memory_space<semaphore_mem>>) src(%arg19 : memref<2000xf32, #tpu.memory_space<vmem>>) dst(%dma_wait3A_64 : memref<2000xf32, #tpu.memory_space<hbm>>)
    return
  }
}

module attributes {stable_mosaic.version = 14 : i64} {
  func.func @_table_body(%arg0: memref<784x128xf32, #tpu.memory_space<vmem>>, %arg1: memref<784x128xf32, #tpu.memory_space<vmem>>) attributes {dimension_semantics = [], scalar_prefetch = 0 : i64, scratch_operands = 0 : i64, tpu.core_type = #tpu.core_type<tc>} {
    %get3A = arith.constant 0 : index
    %get3A_0 = arith.constant 0 : index
    %get3A_1 = vector.load %arg0[%get3A, %get3A_0] : memref<784x128xf32, #tpu.memory_space<vmem>>, vector<784x128xf32>
    %rsqrt3A = math.rsqrt %get3A_1 : vector<784x128xf32>
    %mul3A = arith.constant 0.624499797 : f32
    %mul3A_2 = vector.broadcast %mul3A : f32 to vector<784x128xf32>
    %mul3A_3 = arith.mulf %mul3A_2, %rsqrt3A : vector<784x128xf32>
    %swap3A = arith.constant 0 : index
    %swap3A_4 = arith.constant 0 : index
    %swap3A_5 = vector.load %arg1[%swap3A, %swap3A_4] : memref<784x128xf32, #tpu.memory_space<vmem>>, vector<784x128xf32>
    tpu.vector_store %arg1[%swap3A, %swap3A_4], %mul3A_3 {strides = array<i32>} : memref<784x128xf32, #tpu.memory_space<vmem>>, vector<784x128xf32>,
    return
  }
}

</mosaic_0001>

<sc_bundles>
// kernel: kernel.4.cloned.1.call-start
scs
__scs_entry_jumppad:
0x0: {  	(pc) =	sbr.rel $0x88, $3  }
0x1: {  	(tag) =	ssettag $0x0;
	lr =	simm.s32 $0x1  }
0x2: {  	[smem:$0x3F9D] =	sst lr;
	_ =	strace $0xD0000000  }
0x3: {  	_ = 	snop  }
0x4: {  	_ = 	snop  }
0x5: {  	_ = 	snop  }
0x6: {  	_ = 	snop  }
0x7: {  	_ = 	snop  }
__scs_overlays_trampoline_lowered:
0x8: {  	[smem:$0x3FAC] =	sst s0  }
0x9: {  	[smem:$0x3FAD] =	sst s1  }
0xa: {  	[smem:$0x3FAE] =	sst s2  }
0xb: {  	[smem:$0x3FAF] =	sst s3  }
0xc: {  	[smem:$0x3FB0] =	sst s4  }
0xd: {  	[smem:$0x3FB1] =	sst s5  }
0xe: {  	[smem:$0x3FB2] =	sst s6  }
0xf: {  	[smem:$0x3FB3] =	sst s7  }
0x10: {  	[smem:$0x3FB4] =	sst s8  }
0x11: {  	[smem:$0x3FB5] =	sst s9;
	s0 =	simm.s32 @!p0 $0x0  }
0x12: {  	s1 =	sld [smem:$0x3F9B];
	s0 =	simm.s32 @p0 $0x1  }
0x13: {  	[smem:$0x3FB6] =	sst s0;
	s0 =	simm.s32 @!p1 $0x0  }
0x14: {  	s2 =	sld [smem:$0x3F9A];
	s0 =	simm.s32 @p1 $0x1  }
0x15: {  	[smem:$0x3FB7] =	sst s0;
	s0 =	simm.s32 @!p2 $0x0  }
0x16: {  	s3 =	sld [smem:$0x3FDB];
	s0 =	simm.s32 @p2 $0x1  }
0x17: {  	s4 =	simm.s32 $0x1BF5;
	[smem:$0x3FB9] =	sst s0  }
0x18: {  	s0 =	sld [smem:$0x3F9C];
	_ =	swait.ge [sflag:s4], $0x0  }
0x19: {  	s7 =	sld [smem:$0x3F9D]  }
0x1a: {  	s8 =	sadd.s32 $0xFFFFE003, lr  }
0x1b: {  	s9 =	sadd.s32 $0xFFFFFEF7, lr;
	s5 =	simm.s32 $0xFFFFFFFF;
	p2 =	slt.u32 s8, $0xFFFFF086  }
0x1c: {  	p1 =	slt.u32 s9, $0xF7A;
	s5 =	simm.s32 @!p2 $0x0  }
0x1d: {  	s5 =	simm.s32 @p1 $0x1;
	p0 =	seq.s32 s7, s2  }
0x1e: {  	s7 =	smul.u32 @!p0 $0xF7A, s2;
	p2 =	seq.s32 @!p0 s5, $0x0  }
0x1f: {  	s9 =	smul.u32 $0xF7A, s1;
	s8 =	simm.s32 @!p0 $0x1BF5;
	p2 =	por !p2, p0  }
0x20: {  	[sflag:s8] =	ssyncset.s32 @!p0 $0xFFFFF086;
	s6 =	sadd.s32 @!p0 s3, s7;
	s7 =	simm.s32 @!p0 $0x108  }
0x21: {  	s3 =	sadd.s32 s3, s9;
	s6 =	sadd.s32 @!p0 $0x88, s6;
	s7 =	simm.s32 @p2 $0x1082  }
0x22: {  	[simem:s7], [sflag:s8] =	dma.local @!p0 [hbm:s6], $0xF7A  }
0x23: {  	s9 =	sor.u32 $0xD0000000, s2;
	s6 =	simm.s32 $0x108;
	_ =	swait.ge @!p0 [sflag:s8], $0x0  }
0x24: {  	s3 =	sadd.s32 $0x88, s3;
	s6 =	simm.s32 @!p1 $0x1082;
	[sflag:s4] =	ssyncset.s32 $0xFFFFF086  }
0x25: {  	[simem:s6], [sflag:s4] =	dma.local [hbm:s3], $0xF7A  }
0x26: {  	[smem:$0x3F9D] =	sst s1;
	(tag) =	ssettag s2;
	_ =	strace s9  }
0x27: {  	s1 =	sld [smem:$0x3FAD]  }
0x28: {  	s2 =	sld [smem:$0x3FAE]  }
0x29: {  	s4 =	sld [smem:$0x3FB0]  }
0x2a: {  	p0 =	seq.s32 s5, $0x0;
	s5 =	sld [smem:$0x3FB1]  }
0x2b: {  	s6 =	sld [smem:$0x3FB2]  }
0x2c: {  	s7 =	sld [smem:$0x3FB3]  }
0x2d: {  	s3 =	simm.s32 $0x108;
	s8 =	sld [smem:$0x3FB4]  }
0x2e: {  	s3 =	simm.s32 @!p0 $0x1082;
	s9 =	sld [smem:$0x3FB5]  }
0x2f: {  	lr =	sadd.s32 s0, s3;
	s0 =	sld [smem:$0x3FAC]  }
0x30: {  	s3 =	sld [smem:$0x3FAF]  }
0x31: {  	[smem:$0x3FB8] =	sst s10  }
0x32: {  	s10 =	sld [smem:$0x3FB6];
	_ =	sdelay $0x3  }
0x33: {  	p0 =	seq.s32 s10, $0x1;
	s10 =	sld [smem:$0x3FB8];
	_ =	sdelay $0x3  }
0x34: {  	[smem:$0x3FB8] =	sst s10  }
0x35: {  	s10 =	sld [smem:$0x3FB7];
	_ =	sdelay $0x3  }
0x36: {  	p1 =	seq.s32 s10, $0x1;
	s10 =	sld [smem:$0x3FB8];
	_ =	sdelay $0x3  }
0x37: {  	[smem:$0x3FB8] =	sst s10  }
0x38: {  	s10 =	sld [smem:$0x3FB9]  }
0x39: {  	_ = 	snop;
	(pc) =	sbr.ind lr, $3  }
0x3a: {  	_ = 	snop  }
0x3b: {  	_ = 	snop  }
0x3c: {  	p2 =	seq.s32 s10, $0x1;
	s10 =	sld [smem:$0x3FB8]  }
0x3d: {  	_ =	shalt  }
0x3e: {  	_ =	shalt  }
0x3f: {  	_ =	shalt  }
0x40: {  	_ =	shalt  }
0x41: {  	_ =	shalt  }
0x42: {  	_ =	shalt  }
0x43: {  	_ =	shalt  }
0x44: {  	_ =	shalt  }
0x45: {  	_ =	shalt  }
0x46: {  	_ =	shalt  }
0x47: {  	_ =	shalt  }
0x48: {  	_ =	shalt  }
0x49: {  	_ =	shalt  }
0x4a: {  	_ =	shalt  }
0x4b: {  	_ =	shalt  }
0x4c: {  	_ =	shalt  }
0x4d: {  	_ =	shalt  }
0x4e: {  	_ =	shalt  }
0x4f: {  	_ =	shalt  }
0x50: {  	_ =	shalt  }
0x51: {  	_ =	shalt  }
0x52: {  	_ =	shalt  }
0x53: {  	_ =	shalt  }
0x54: {  	_ =	shalt  }
0x55: {  	_ =	shalt  }
0x56: {  	_ =	shalt  }
0x57: {  	_ =	shalt  }
0x58: {  	_ =	shalt  }
0x59: {  	_ =	shalt  }
0x5a: {  	_ =	shalt  }
0x5b: {  	_ =	shalt  }
0x5c: {  	_ =	shalt  }
0x5d: {  	_ =	shalt  }
0x5e: {  	_ =	shalt  }
0x5f: {  	_ =	shalt  }
0x60: {  	_ =	shalt  }
0x61: {  	_ =	shalt  }
0x62: {  	_ =	shalt  }
0x63: {  	_ =	shalt  }
0x64: {  	_ =	shalt  }
0x65: {  	_ =	shalt  }
0x66: {  	_ =	shalt  }
0x67: {  	_ =	shalt  }
0x68: {  	_ =	shalt  }
0x69: {  	_ =	shalt  }
0x6a: {  	_ =	shalt  }
0x6b: {  	_ =	shalt  }
0x6c: {  	_ =	shalt  }
0x6d: {  	_ =	shalt  }
0x6e: {  	_ =	shalt  }
0x6f: {  	_ =	shalt  }
0x70: {  	_ =	shalt  }
0x71: {  	_ =	shalt  }
0x72: {  	_ =	shalt  }
0x73: {  	_ =	shalt  }
0x74: {  	_ =	shalt  }
0x75: {  	_ =	shalt  }
0x76: {  	_ =	shalt  }
0x77: {  	_ =	shalt  }
0x78: {  	_ =	shalt  }
0x79: {  	_ =	shalt  }
0x7a: {  	_ =	shalt  }
0x7b: {  	_ =	shalt  }
0x7c: {  	_ =	shalt  }
0x7d: {  	_ =	shalt  }
0x7e: {  	_ =	shalt  }
0x7f: {  	_ =	shalt  }
0x80: {  	_ =	shalt  }
0x81: {  	_ =	shalt  }
0x82: {  	_ =	shalt  }
0x83: {  	_ =	shalt  }
0x84: {  	_ =	shalt  }
0x85: {  	_ =	shalt  }
0x86: {  	_ =	shalt  }
0x87: {  	_ =	shalt  }
.Lfunc_end0:
.L_simem_size_0:
called_computation_lowered:
.L_overlay_start_0:
0x88: {  	s2 =	sld [smem:$0x3FD9]  }
0x89: {  	s3 =	sld [smem:$0x3FFE];
	_ =	sdelay $0x1  }
0x8a: {  	s1 =	srdreg.scid  }
0x8b: {  	s0 =	sand.u32 $0x1, s1  }
0x8c: {  	s14 =	sshll.u32 s0, $0xA;
	s2 =	sadd.s32 s3, s2  }
0x8d: {  	s2 =	sadd.s32 s2, s14  }
0x8e: {  	[smem:$0x3FC4] =	sst s2  }
0x8f: {  	_ = 	snop  }
0x90: {  	s2 =	sld [smem:$0x3FD0]  }
0x91: {  	s15 =	sld [smem:$0x3FC9]  }
0x92: {  	s4 =	sld [smem:$0x3FC8]  }
0x93: {  	s6 =	simm.s32 $0xA;
	s7 =	simm.s32 $0x10;
	s5 =	sld [smem:$0x3FC7]  }
0x94: {  	[smem:s7], [sflag:s6] =	dma.local [hbm:s2], $0x1  }
0x95: {  	_ =	swait.eq [sflag:s6], $0x1  }
0x96: {  	[sflag:s6] =	ssyncset.done $0x0  }
0x97: {  	s16 =	sld [smem:$0x10];
	[sflag:s6] =	ssyncadd.s32 $0xFFFFFFFF  }
0x98: {  	s17 =	sld [smem:$0x11];
	(tm) =	ssettm $0x1  }
0x99: {  	s18 =	sld [smem:$0x3FFB];
	_ =	sdelay $0x3  }
0x9a: {  	_ =	strace s18  }
0x9b: {  	s7 =	sld [smem:$0x3FFC];
	_ =	sdelay $0x3  }
0x9c: {  	_ =	strace s7  }
0x9d: {  	s7 =	sld [smem:$0x3FFD];
	_ =	sdelay $0x3  }
0x9e: {  	_ =	strace s7  }
0x9f: {  	_ =	strace $0x8FFFFFFF  }
0xa0: {  	s19 =	sld [smem:$0x3FDB];
	_ =	sdelay $0x1  }
0xa1: {  	s8 =	simm.s32 $_scs_section_size  }
0xa2: {  	s9 =	simm.s32 $_size__tile_overlayer_lowered;
	s10 =	simm.s32 $_tile_overlayer_lowered  }
0xa3: {  	s22 =	simm.s32 $0x1BFF;
	s21 =	sshll.u32 s10, $0x1;
	s7 =	sadd.s32 s8, s19  }
0xa4: {  	s11 =	simm.s32 $0x0;
	s20 =	sshll.u32 s9, $0x1;
	s9 =	sadd.s32 s21, s7  }
0xa5: {  	[timem:s11], [sflag:s22] =	dma.local [hbm:s9], s20  }
0xa6: {  	_ =	swait.ge [sflag:s22], s20  }
0xa7: {  	s8 =	ssub.s32 $0x0, s20;
	[sflag:s22] =	ssyncset.done $0x0  }
0xa8: {  	[sflag:s22] =	ssyncadd.s32 s8;
	_ =	sdelay $0x1  }
0xa9: {  	s23 =	simm.s32 $0x1B8B  }
0xaa: {  	_ =	swait.ge [sflag:s23], $0x1  }
0xab: {  	[sflag:s23] =	ssyncset.done $0x0  }
0xac: {  	s25 =	simm.s32 $0x1B8E;
	s24 =	sld [smem:$0x3FFE];
	[sflag:s23] =	ssyncadd.s32 $0xFFFFFFFF  }
0xad: {  	s26 =	simm.s32 $execute0_lowered;
	[smem:$0x3FD2] =	sst s25  }
0xae: {  	s9 =	sshll.u32 s26, $0x1;
	_ =	strace $0x80000046;
	[dreg:$0x1] =	wrdreg $0xFFFFFFFF  }
0xaf: {  	s28 =	simm.s32 $_size_execute0_lowered;
	s7 =	sadd.s32 s7, s9;
	[dreg:$0x0] =	wrdreg $0x0  }
0xb0: {  	s9 =	sshll.u32 s28, $0x1;
	[dreg:$0x2] =	wrdreg s7  }
0xb1: {  	[dreg:$0x3] =	wrdreg s9  }
0xb2: {  	[dreg:$0x4] =	wrdreg $0xC0  }
0xb3: {  	_ =	task [dreg:s11], $0x5FFFF  }
0xb4: {  	[dreg:$0x1] =	wrdreg $0xFFFFFFFF  }
0xb5: {  	[dreg:$0x0] =	wrdreg $0x60  }
0xb6: {  	[dreg:$0x2] =	wrdreg s24  }
0xb7: {  	[dreg:$0x3] =	wrdreg s15  }
0xb8: {  	[dreg:$0x4] =	wrdreg s4  }
0xb9: {  	[dreg:$0x5] =	wrdreg s5  }
0xba: {  	[dreg:$0x6] =	wrdreg s16  }
0xbb: {  	[dreg:$0x7] =	wrdreg s17  }
0xbc: {  	[dreg:$0x8] =	wrdreg $0x188000  }
0xbd: {  	[dreg:$0x9] =	wrdreg $0x9  }
0xbe: {  	_ =	task.clear_ibuf [dreg:s11], $0xAFFFF;
	_ =	strace $0x90000046  }
0xbf: {  	s29 =	simm.s32 $0x9;
	_ =	strace $0x80000048  }
0xc0: {  	_ =	swait.ge [sflag:s29], $0x1  }
0xc1: {  	[sflag:s29] =	ssyncadd.s32 $0xFFFFFFFF  }
0xc2: {  	_ =	strace $0x90000048  }
0xc3: {  	_ =	sfence  }
0xc4: {  	s30 =	sld [smem:$0x0];
	_ =	sdelay $0x2  }
0xc5: {  	s31 =	sshll.u32 s1, $0xD;
	s1 =	sshrl.u32 s1, $0x2  }
0xc6: {  	s3 =	sand.u32 $0x4000, s31;
	s1 =	sadd.s32 s1, s30  }
0xc7: {  	s0 =	sor.u32 s3, s0;
	s1 =	sshll.u32 s1, $0x11  }
0xc8: {  	s0 =	sor.u32 s1, s0  }
0xc9: {  	s0 =	sadd.s32 $0x8F2B, s0  }
0xca: {  	[sflag:s0] =	ssyncadd.remote.s32 $0x1  }
0xcb: {  	_ =	sfence.sel $0xFFFF  }
0xcc: {  	[dreg:$0x0] =	wrdreg $0xFFFFFFFF;
	(pc) =	sbr.abs _section_cstart, $3  }
0xcd: {  	[dreg:$0x1] =	wrdreg $0xFFFFFFFF  }
0xce: {  	_ =	task.clear_ibuf [dreg:s11], $0x2FFFF;
	_ =	strace $0x9FFFFFFF  }
0xcf: {  	(tm) =	ssettm $0x7FFFFFFF  }
tec
execute0_lowered:
.L_overlay_start_1:
0x0: {  	(tag) =	ssettag $0x1  }
0x1: {  	s5 =	rddreg [dreg:$0x0]  }
0x2: {  	s0 =	rddreg [dreg:$0x1]  }
0x3: {  	s1 =	rddreg [dreg:$0x2]  }
0x4: {  	s2 =	rddreg [dreg:$0x3]  }
0x5: {  	s3 =	rddreg [dreg:$0x4]  }
0x6: {  	s4 =	rddreg [dreg:$0x5]  }
0x7: {  	s6 =	srdreg.scid;
	s9 =	stileid.u32  }
0x8: {  	s7 =	simm.s32 $0x0;
	s28 =	simm.s32 $0x1;
	s29 =	simm.s32 $0x1D080  }
0x9: {  	s30 =	simm.s32 $0x1E080;
	s31 =	simm.s32 $0x2;
	s6 =	sand.u32 $0x1, s6  }
0xa: {  	s8 =	sshll.u32 s9, $0x1;
	[smem:$0x7FF] =	sst s7;
	s5 =	sadd.s32 $0x800, s5  }
0xb: {  	p0 =	sne.s32 s9, $0x0;
	s8 =	sor.u32 s6, s8;
	s6 =	ssub.s32 $0x2, s6  }
0xc: {  	_ =	strace $0x80000047;
	s8 =	smul.u32 $0x186A0, s8;
	s20 =	sshrl.u32 s6, $0x1  }
0xd: {  	[dreg:$0x8] =	wrdreg s5;
	s5 =	ssub.s32 s6, s20;
	s20 =	simm.s32 $0x1E880  }
0xe: {  	s21 =	sshrl.u32 s8, $0x3;
	s10 =	sadd.s32 $0x7D0, s8;
	s17 =	sadd.s32 $0xFA0, s8  }
0xf: {  	s18 =	sadd.s32 $0x1770, s8;
	s5 =	smax.u32 s5, $0x1;
	s11 =	sadd.s32 s0, s21  }
0x10: {  	s22 =	sadd.s32 s1, s21;
	s23 =	sshrl.u32 s10, $0x3;
	[dreg:$0xf] =	wrdreg s5  }
0x11: {  	s6 =	sadd.s32 s2, s21;
	s5 =	simm.s32 $0x1D880;
	[dreg:$0x9] =	wrdreg s11  }
.Ltmp0:
0x12: {  	s21 =	simm.s32 $0x3;
	[dreg:$0xa] =	wrdreg s22;
	(pc) =	sbr.rel .LBB2_1-.Ltmp0, $4  }
0x13: {  	[dreg:$0xb] =	wrdreg s6;
	s24 =	sadd.s32 s0, s23;
	s25 =	sadd.s32 s1, s23  }
0x14: {  	s26 =	sadd.s32 s2, s23;
	s23 =	simm.s32 $0x1A880;
	[dreg:$0xc] =	wrdreg s24  }
0x15: {  	s22 =	simm.s32 $0x4;
	s6 =	simm.s32 $0x0;
	[dreg:$0xd] =	wrdreg s25  }
0x16: {  	[dreg:$0xe] =	wrdreg s26;
	s24 =	simm.s32 $0x1B880;
	s25 =	simm.s32 $0x1C880  }
.LBB2_8:
0x17: {  	_ =	swait.ge [sflag:s21], $0x7D0  }
0x18: {  	[sflag:s21] =	ssyncset.done $0x0  }
0x19: {  	[sflag:s21] =	ssyncadd.s32 $0xFFFFF830  }
0x1a: {  	_ =	swait.ge [sflag:s21], $0x7D0  }
0x1b: {  	[sflag:s21] =	ssyncset.done $0x0  }
0x1c: {  	[sflag:s21] =	ssyncadd.s32 $0xFFFFF830  }
0x1d: {  	_ =	swait.ge [sflag:s22], $0x7D0  }
0x1e: {  	[sflag:s22] =	ssyncset.done $0x0  }
0x1f: {  	[sflag:s22] =	ssyncadd.s32 $0xFFFFF830  }
0x20: {  	_ =	swait.ge [sflag:s22], $0x7D0  }
0x21: {  	s6 =	sadd.s32 $0x1, s6;
	s9 =	rddreg [dreg:$0xf]  }
0x22: {  	p1 =	sne.s32 s6, s9  }
.Ltmp1:
0x23: {  	_ = 	snop;
	(pc) =	sbr.rel @!p1 .LBB2_9-.Ltmp1, $3  }
0x24: {  	_ =	sdelay $0x1  }
0x25: {  	[sflag:s22] =	ssyncset.done $0x0  }
0x26: {  	[sflag:s22] =	ssyncadd.s32 $0xFFFFF830  }
.LBB2_1:
0x27: {  	s9 =	rddreg [dreg:$0x9]  }
0x28: {  	s13 =	rddreg [dreg:$0xb]  }
0x29: {  	s11 =	simm.s32 $0x1A080;
	s15 =	rddreg [dreg:$0xc]  }
0x2a: {  	[tilespmem:s11], [sflag:$0x1] =	stream.linear.gather [hbm4b:s9+s7], $0x7D0, $0x38;
	[tilespmem:$0x1F080] =	vst v63  }
0x2b: {  	s12 =	simm.s32 $0x1B080;
	s11 =	rddreg [dreg:$0xa]  }
0x2c: {  	[tilespmem:s12], [sflag:$0x1] =	stream.linear.gather [hbm4b:s11+s7], $0x7D0, $0x38;
	[tilespmem:$0x1F080] =	vst v63  }
0x2d: {  	s14 =	simm.s32 $0x1C080;
	s16 =	rddreg [dreg:$0xd]  }
0x2e: {  	[tilespmem:s14], [sflag:$0x1] =	stream.linear.gather [hbm4b:s13+s7], $0x7D0, $0x38;
	[tilespmem:$0x1F080] =	vst v63  }
0x2f: {  	s19 =	rddreg [dreg:$0xe]  }
0x30: {  	[tilespmem:s23], [sflag:$0x2] =	stream.linear.gather [hbm4b:s15+s7], $0x7D0, $0x38;
	[tilespmem:$0x1F080] =	vst v63  }
0x31: {  	s12 =	rddreg [dreg:$0x6]  }
0x32: {  	[tilespmem:s24], [sflag:$0x2] =	stream.linear.gather [hbm4b:s16+s7], $0x7D0, $0x38;
	[tilespmem:$0x1F080] =	vst v63  }
0x33: {  	s11 =	simm.s32 @!p0 $0x1C05;
	s9 =	sshrl.u32 @!p0 s12, $0x3;
	s13 =	rddreg [dreg:$0x8]  }
0x34: {  	[tilespmem:s25], [sflag:$0x2] =	stream.linear.gather [hbm4b:s19+s7], $0x7D0, $0x38;
	[tilespmem:$0x1F080] =	vst v63  }
0x35: {  	[spmem:s9], [sflag:s11] =	dma.local @!p0 [hbm:s13], $0x3100  }
0x36: {  	s9 =	simm.s32 @!p0 $0x5  }
0x37: {  	_ =	swait.ge @!p0 [sflag:s9], $0x3100  }
0x38: {  	[sflag:s9] =	ssyncset.done @!p0 $0x0  }
0x39: {  	[sflag:s9] =	ssyncadd.s32 @!p0 $0xFFFFCF00  }
0x3a: {  	s26 =	simm.s32 $0x5;
	[bflag:$0x0] =	sbarrier.arrive $0xFFFF  }
0x3b: {  	[tilespmem:s7], [sflag:$0x5] =	stream.linear.gather [spmem:s12], $0x18800, $0x38;
	[tilespmem:$0x1F080] =	vst v63  }
0x3c: {  	_ =	swait.ge [sflag:s26], $0x18800  }
0x3d: {  	[sflag:s26] =	ssyncset.done $0x0  }
0x3e: {  	s9 =	simm.s32 $0x0;
	[sflag:s26] =	ssyncadd.s32 $0xFFFE7800  }
.LBB2_2:
0x3f: {  	_ =	swait.ge [sflag:s28], $0x7D0  }
0x40: {  	[sflag:s28] =	ssyncset.done $0x0  }
0x41: {  	[sflag:s28] =	ssyncadd.s32 $0xFFFFF830  }
0x42: {  	_ =	swait.ge [sflag:s28], $0x7D0  }
0x43: {  	[sflag:s28] =	ssyncset.done $0x0  }
0x44: {  	[sflag:s28] =	ssyncadd.s32 $0xFFFFF830  }
0x45: {  	_ =	swait.ge [sflag:s28], $0x7D0  }
0x46: {  	p1 =	seq.s32 s9, $0x0;
	[sflag:s28] =	ssyncset.done $0x0  }
0x47: {  	s11 =	simm.s32 @!p1 $0x3;
	[sflag:s28] =	ssyncadd.s32 $0xFFFFF830  }
0x48: {  	_ =	swait.ge @!p1 [sflag:s11], $0x7D0  }
0x49: {  	[sflag:s11] =	ssyncset.done @!p1 $0x0  }
0x4a: {  	[sflag:s11] =	ssyncadd.s32 @!p1 $0xFFFFF830  }
0x4b: {  	_ =	swait.ge @!p1 [sflag:s11], $0x7D0  }
0x4c: {  	[sflag:s11] =	ssyncset.done @!p1 $0x0  }
0x4d: {  	s19 =	simm.s32 $0x1A0A0;
	[sflag:s11] =	ssyncadd.s32 @!p1 $0xFFFFF830  }
0x4e: {  	v0 =	vld [tilespmem:s19+$0x20]  }
0x4f: {  	s12 =	simm.s32 $0x1B0A0;
	v1 =	vld [tilespmem:s19+$0xFFFFFFF0]  }
0x50: {  	v2 =	vld [tilespmem:s12+$0x20]  }
0x51: {  	v3 =	vld [tilespmem:s19+$0x0]  }
0x52: {  	s13 =	simm.s32 $0x1C0A0;
	v4 =	vld [tilespmem:s19+$0x10]  }
0x53: {  	v5 =	vld [tilespmem:s13+$0x20]  }
0x54: {  	v6 =	vld [tilespmem:s19+$0xFFFFFFE0]  }
0x55: {  	v7 =	vld [tilespmem:s13+$0xFFFFFFE0]  }
0x56: {  	v8 =	vld [tilespmem:s13+$0xFFFFFFF0]  }
0x57: {  	v9 =	vld [tilespmem:s13+$0x0]  }
0x58: {  	v10 =	vld [tilespmem:s13+$0x10]  }
0x59: {  	v11 =	vld [tilespmem:s12+$0xFFFFFFE0]  }
0x5a: {  	v12 =	vld [tilespmem:s12+$0xFFFFFFF0]  }
0x5b: {  	v13 =	vld [tilespmem:s12+$0x0]  }
0x5c: {  	v14 =	vld [tilespmem:s12+$0x10];
	s13 =	simm.s32 $0x1C0F0  }
0x5d: {  	v17 =	vld [tilespmem:s13+$0xFFFFFFF0]  }
0x5e: {  	v60 =	vld [tilespmem:s13+$0x0]  }
0x5f: {  	v0 =	vld.idx.msk [tilespmem:v0+s7+$0x0], $0xffff  }
0x60: {  	v2 =	vld.idx.msk [tilespmem:v2+s7+$0x0], $0xffff  }
0x61: {  	v15 =	vmul.f32 v5, v5;
	v6 =	vld.idx.msk [tilespmem:v6+s7+$0x0], $0xffff  }
0x62: {  	v1 =	vld.idx.msk [tilespmem:v1+s7+$0x0], $0xffff  }
0x63: {  	v5 =	vmul.f32 v15, v5;
	v3 =	vld.idx.msk [tilespmem:v3+s7+$0x0], $0xffff  }
0x64: {  	v16 =	vmul.f32 v9, v9;
	v15 =	vmul.f32 v8, v8;
	v12 =	vld.idx.msk [tilespmem:v12+s7+$0x0], $0xffff  }
0x65: {  	v0 =	vmul.f32 v5, v0;
	v5 =	vld.idx.msk [tilespmem:v11+s7+$0x0], $0xffff;
	v11 =	vmul.f32 v7, v7  }
0x66: {  	s26 =	simm.s32 $0x1A0F0;
	v4 =	vld.idx.msk [tilespmem:v4+s7+$0x0], $0xffff;
	v8 =	vmul.f32 v15, v8  }
0x67: {  	v9 =	vmul.f32 v16, v9;
	v15 =	vld [tilespmem:s26+$0x20];
	v7 =	vmul.f32 v11, v7  }
0x68: {  	s12 =	simm.s32 $0x1B0F0;
	v1 =	vmul.f32 v8, v1;
	v0 =	vmul.f32 v0, v2;
	v2 =	vld.idx.msk [tilespmem:v13+s7+$0x0], $0xffff  }
0x69: {  	v8 =	vld [tilespmem:s12+$0x20];
	v11 =	vmul.f32 v10, v10;
	v6 =	vmul.f32 v7, v6  }
0x6a: {  	v3 =	vmul.f32 v9, v3;
	v13 =	vld.idx.msk [tilespmem:v14+s7+$0x0], $0xffff;
	v9 =	vmul.f32 v1, v12;
	v14 =	vsub.f32 $0.0e+00, v0  }
0x6b: {  	v12 =	vld [tilespmem:s26+$0xFFFFFFE0];
	v10 =	vmul.f32 v11, v10;
	v5 =	vmul.f32 v6, v5  }
0x6c: {  	v7 =	vld [tilespmem:s26+$0xFFFFFFF0];
	v11 =	vmul.f32 $1.442695020e+00, v14  }
0x6d: {  	v1 =	vmul.f32 v10, v4;
	v10 =	vmul.f32 v3, v2;
	v2 =	vld [tilespmem:s13+$0x20];
	v4 =	vsub.f32 $0.0e+00, v5  }
0x6e: {  	v18 =	vld [tilespmem:s12+$0xFFFFFFF0];
	v3 =	vsub.f32 $0.0e+00, v9;
	(erf) = vpow2.f32 v11  }
0x6f: {  	v15 =	vld.idx.msk [tilespmem:v15+s7+$0x0], $0xffff;
	v13 =	vmul.f32 v1, v13;
	v1 =	vmul.f32 $1.442695020e+00, v4;
	v4 =	vsub.f32 $0.0e+00, v10  }
0x70: {  	v6 =	vld [tilespmem:s26+$0x0]  }
0x71: {  	v14 =	vld [tilespmem:s13+$0xFFFFFFE0];
	v3 =	vmul.f32 $1.442695020e+00, v3;
	v59 =	vsub.f32 $0.0e+00, v13;
	v4 =	vmul.f32 $1.442695020e+00, v4  }
0x72: {  	(erf) = vpow2.f32 v1;
	v1 =	vld.idx.msk [tilespmem:v8+s7+$0x0], $0xffff;
	v8 =	vmul.f32 v2, v2  }
0x73: {  	v11 =	vld [tilespmem:s26+$0x10];
	(erf) = vpow2.f32 v3;
	v3 =	vmul.f32 $1.442695020e+00, v59  }
0x74: {  	v12 =	vld.idx.msk [tilespmem:v12+s7+$0x0], $0xffff;
	v2 =	vmul.f32 v8, v2  }
0x75: {  	v62 =	vld.idx.msk [tilespmem:v7+s7+$0x0], $0xffff;
	(erf) = vpow2.f32 v4  }
0x76: {  	v8 =	vld [tilespmem:s12+$0xFFFFFFE0];
	(erf) = vpow2.f32 v3;
	v2 =	vmul.f32 v2, v15  }
0x77: {  	v20 =	vld [tilespmem:s12+$0x0];
	v21 =	vmul.f32 v17, v17;
	v19 =	vmul.f32 v14, v14;
	v3 =	vpop (erf)  }
0x78: {  	v22 =	vld [tilespmem:s12+$0x10];
	v15 =	vsub.f32 $1.000000000e+00, v3;
	v3 =	vmul.f32 v3, v0;
	v0 =	vmul.f32 v2, v1  }
0x79: {  	v17 =	vmul.f32 v21, v17;
	v14 =	vmul.f32 v19, v14;
	v4 =	vld [tilespmem:s13+$0x10]  }
0x7a: {  	s14 =	simm.s32 $0x1D0A0;
	v3 =	vsub.f32 v15, v3;
	v7 =	vsub.f32 $0.0e+00, v0  }
0x7b: {  	s15 =	simm.s32 $0x1E0A0;
	v12 =	vmul.f32 v14, v12;
	v14 =	vmul.f32 v17, v62;
	v2 =	vld.idx.msk [tilespmem:v6+s7+$0x0], $0xffff;
	[tilespmem:s14+$0x20] =	vst v15;
	v23 =	vpop (erf)  }
0x7c: {  	v15 =	vsub.f32 $1.000000000e+00, v23;
	v5 =	vmul.f32 v23, v5;
	v6 =	vpop (erf);
	[tilespmem:s15+$0x20] =	vst v3;
	v3 =	vld.idx.msk [tilespmem:v11+s7+$0x0], $0xffff;
	v11 =	vmul.f32 $1.442695020e+00, v7  }
0x7d: {  	v1 =	vmul.f32 v60, v60;
	v63 =	vsub.f32 $1.000000000e+00, v6;
	v9 =	vmul.f32 v6, v9  }
0x7e: {  	v61 =	vmul.f32 v4, v4;
	v6 =	vld.idx.msk [tilespmem:v8+s7+$0x0], $0xffff;
	v7 =	vpop (erf);
	[tilespmem:s14+$0xFFFFFFE0] =	vst v15;
	v8 =	vsub.f32 v15, v5;
	(erf) = vpow2.f32 v11  }
0x7f: {  	s11 =	smul.u32 $0xFA0, s9;
	v5 =	vsub.f32 $1.000000000e+00, v7;
	v15 =	vmul.f32 v7, v10;
	v7 =	vld.idx.msk [tilespmem:v18+s7+$0x0], $0xffff;
	[tilespmem:s14+$0xFFFFFFF0] =	vst v63;
	v16 =	vsub.f32 v63, v9;
	v10 =	vpop (erf)  }
0x80: {  	v1 =	vmul.f32 v1, v60;
	v9 =	vld.idx.msk [tilespmem:v20+s7+$0x0], $0xffff;
	[tilespmem:s15+$0xFFFFFFE0] =	vst v8;
	v11 =	vmul.f32 v10, v13;
	v8 =	vsub.f32 $1.000000000e+00, v10  }
0x81: {  	s19 =	simm.s32 $0x5;
	s16 =	sadd.s32 s8, s11;
	s26 =	simm.s32 $0x1A140;
	v4 =	vmul.f32 v61, v4;
	v10 =	vld.idx.msk [tilespmem:v22+s7+$0x0], $0xffff;
	[tilespmem:s15+$0xFFFFFFF0] =	vst v16;
	v13 =	vsub.f32 v5, v15  }
.LBB2_3:
0x82: {  	v15 =	vld [tilespmem:s26+$0x20];
	s19 =	sadd.s32 $0x5, s19;
	v1 =	vmul.f32 v1, v2;
	[tilespmem:s14+$0x0] =	vst v5;
	v2 =	vsub.f32 v8, v11  }
0x83: {  	v3 =	vmul.f32 v4, v3;
	s12 =	sadd.s32 $0x50, s12;
	v5 =	vld [tilespmem:s26+$0xFFFFFFF0];
	p2 =	slt.u32 s19, $0x78;
	[tilespmem:s15+$0x0] =	vst v13  }
0x84: {  	v6 =	vmul.f32 v12, v6;
	v4 =	vld [tilespmem:s12+$0x20];
	[tilespmem:s14+$0x10] =	vst v8  }
0x85: {  	v7 =	vmul.f32 v14, v7;
	v8 =	vld [tilespmem:s26+$0x0];
	[tilespmem:s15+$0x10] =	vst v2  }
0x86: {  	s13 =	sadd.s32 $0x50, s13;
	v2 =	vsub.f32 $0.0e+00, v6;
	v9 =	vmul.f32 v1, v9;
	v11 =	vld [tilespmem:s26+$0x10]  }
0x87: {  	v12 =	vsub.f32 $0.0e+00, v7;
	v10 =	vmul.f32 v3, v10;
	v1 =	vld [tilespmem:s13+$0x20]  }
0x88: {  	v2 =	vmul.f32 $1.442695020e+00, v2;
	v13 =	vsub.f32 $0.0e+00, v9;
	v3 =	vld [tilespmem:s26+$0xFFFFFFE0];
	v14 =	vpop (erf)  }
0x89: {  	v17 =	vsub.f32 $0.0e+00, v10;
	v16 =	vld [tilespmem:s13+$0xFFFFFFE0];
	v18 =	vsub.f32 $1.000000000e+00, v14;
	v0 =	vmul.f32 v14, v0  }
0x8a: {  	v12 =	vmul.f32 $1.442695020e+00, v12;
	v13 =	vmul.f32 $1.442695020e+00, v13;
	v14 =	vld.idx.msk [tilespmem:v15+s7+$0x0], $0xffff  }
0x8b: {  	s14 =	sadd.s32 $0x50, s14;
	v17 =	vmul.f32 $1.442695020e+00, v17;
	v15 =	vld [tilespmem:s13+$0xFFFFFFF0];
	v0 =	vsub.f32 v18, v0;
	(erf) = vpow2.f32 v2  }
0x8c: {  	s15 =	sadd.s32 $0x50, s15;
	v2 =	vld.idx.msk [tilespmem:v4+s7+$0x0], $0xffff;
	v4 =	vmul.f32 v1, v1;
	[tilespmem:s14+$0x20] =	vst v18;
	(erf) = vpow2.f32 v12  }
0x8d: {  	v12 =	vld [tilespmem:s13+$0x0];
	[tilespmem:s15+$0x20] =	vst v0;
	(erf) = vpow2.f32 v13  }
0x8e: {  	v0 =	vmul.f32 v16, v16;
	v13 =	vld [tilespmem:s13+$0x10];
	v1 =	vmul.f32 v4, v1  }
0x8f: {  	v18 =	vld [tilespmem:s12+$0xFFFFFFE0];
	(erf) = vpow2.f32 v17  }
0x90: {  	v17 =	vld [tilespmem:s12+$0xFFFFFFF0];
	v4 =	vmul.f32 v15, v15;
	v1 =	vmul.f32 v1, v14  }
0x91: {  	v14 =	vmul.f32 v0, v16;
	v16 =	vld [tilespmem:s12+$0x0]  }
0x92: {  	v19 =	vmul.f32 v12, v12;
	v20 =	vld [tilespmem:s12+$0x10];
	v0 =	vmul.f32 v1, v2  }
0x93: {  	v15 =	vmul.f32 v4, v15;
	v21 =	vld.idx.msk [tilespmem:v3+s7+$0x0], $0xffff;
	v3 =	vmul.f32 v13, v13  }
0x94: {  	v22 =	vld.idx.msk [tilespmem:v5+s7+$0x0], $0xffff;
	v1 =	vmul.f32 v19, v12;
	v5 =	vsub.f32 $0.0e+00, v0;
	v12 =	vpop (erf)  }
0x95: {  	v2 =	vld.idx.msk [tilespmem:v8+s7+$0x0], $0xffff;
	v4 =	vmul.f32 v3, v13;
	v8 =	vsub.f32 $1.000000000e+00, v12;
	v12 =	vmul.f32 v12, v6;
	v6 =	vpop (erf)  }
.Ltmp2:
0x96: {  	v3 =	vld.idx.msk [tilespmem:v11+s7+$0x0], $0xffff;
	v23 =	vmul.f32 $1.442695020e+00, v5;
	v13 =	vsub.f32 $1.000000000e+00, v6;
	v19 =	vmul.f32 v6, v7;
	v7 =	vpop (erf);
	(pc) =	sbr.rel @p2 .LBB2_3-.Ltmp2, $4  }
0x97: {  	v6 =	vld.idx.msk [tilespmem:v18+s7+$0x0], $0xffff;
	[tilespmem:s14+$0xFFFFFFE0] =	vst v8;
	v8 =	vsub.f32 v8, v12;
	v5 =	vsub.f32 $1.000000000e+00, v7;
	v18 =	vmul.f32 v7, v9  }
0x98: {  	v7 =	vld.idx.msk [tilespmem:v17+s7+$0x0], $0xffff;
	(erf) = vpow2.f32 v23;
	[tilespmem:s14+$0xFFFFFFF0] =	vst v13;
	v13 =	vsub.f32 v13, v19;
	v11 =	vpop (erf)  }
0x99: {  	v12 =	vmul.f32 v14, v21;
	v9 =	vld.idx.msk [tilespmem:v16+s7+$0x0], $0xffff;
	[tilespmem:s15+$0xFFFFFFE0] =	vst v8;
	v8 =	vsub.f32 $1.000000000e+00, v11;
	v11 =	vmul.f32 v11, v10  }
0x9a: {  	s26 =	sadd.s32 $0x50, s26;
	v14 =	vmul.f32 v15, v22;
	v10 =	vld.idx.msk [tilespmem:v20+s7+$0x0], $0xffff;
	[tilespmem:s15+$0xFFFFFFF0] =	vst v13;
	v13 =	vsub.f32 v5, v18  }
0x9b: {  	_ = 	snop  }
0x9c: {  	v6 =	vmul.f32 v12, v6  }
0x9d: {  	v1 =	vmul.f32 v1, v2;
	v2 =	vmul.f32 v14, v7  }
0x9e: {  	v7 =	vsub.f32 $0.0e+00, v6  }
0x9f: {  	v3 =	vmul.f32 v4, v3;
	v4 =	vsub.f32 $0.0e+00, v2  }
0xa0: {  	v1 =	vmul.f32 v1, v9;
	v7 =	vmul.f32 $1.442695020e+00, v7  }
0xa1: {  	v3 =	vmul.f32 v3, v10;
	v4 =	vmul.f32 $1.442695020e+00, v4  }
0xa2: {  	v9 =	vsub.f32 $0.0e+00, v1;
	(erf) = vpow2.f32 v7  }
0xa3: {  	v7 =	vsub.f32 $0.0e+00, v3;
	(erf) = vpow2.f32 v4  }
0xa4: {  	v9 =	vmul.f32 $1.442695020e+00, v9  }
0xa5: {  	v4 =	vmul.f32 $1.442695020e+00, v7  }
0xa6: {  	(erf) = vpow2.f32 v9;
	_ =	sdelay $0x1  }
0xa7: {  	(erf) = vpow2.f32 v4  }
0xa8: {  	[tilespmem:s14+$0x0] =	vst v5;
	v4 =	vpop (erf)  }
0xa9: {  	v5 =	vsub.f32 v8, v11;
	[tilespmem:s14+$0x10] =	vst v8;
	v7 =	vsub.f32 $1.000000000e+00, v4;
	v0 =	vmul.f32 v4, v0  }
0xaa: {  	[tilespmem:s15+$0x0] =	vst v13;
	v4 =	vpop (erf)  }
0xab: {  	s12 =	sadd.s32 $0x50, s14;
	[tilespmem:s15+$0x10] =	vst v5;
	v0 =	vsub.f32 v7, v0;
	v5 =	vsub.f32 $1.000000000e+00, v4;
	v4 =	vmul.f32 v4, v6;
	v6 =	vpop (erf)  }
0xac: {  	s13 =	sadd.s32 $0x50, s15;
	[tilespmem:s12+$0x20] =	vst v7;
	v2 =	vmul.f32 v6, v2  }
0xad: {  	[tilespmem:s13+$0x20] =	vst v0;
	v0 =	vsub.f32 $1.000000000e+00, v6  }
0xae: {  	v6 =	vpop (erf);
	[tilespmem:s12+$0xFFFFFFE0] =	vst v5;
	v4 =	vsub.f32 v5, v4  }
0xaf: {  	v5 =	vsub.f32 $1.000000000e+00, v6;
	v1 =	vmul.f32 v6, v1;
	[tilespmem:s12+$0xFFFFFFF0] =	vst v0;
	v0 =	vsub.f32 v0, v2  }
0xb0: {  	[tilespmem:s13+$0xFFFFFFE0] =	vst v4;
	v2 =	vpop (erf)  }
0xb1: {  	[tilespmem:s13+$0xFFFFFFF0] =	vst v0;
	v0 =	vsub.f32 v5, v1;
	v4 =	vsub.f32 $1.000000000e+00, v2;
	v2 =	vmul.f32 v2, v3  }
0xb2: {  	[tilespmem:s12+$0x0] =	vst v5  }
0xb3: {  	[tilespmem:s13+$0x0] =	vst v0;
	v1 =	vsub.f32 v4, v2  }
0xb4: {  	s26 =	sshrl.u32 s16, $0x3;
	[tilespmem:s12+$0x10] =	vst v4  }
0xb5: {  	s14 =	sadd.s32 s3, s26;
	[tilespmem:s13+$0x10] =	vst v1  }
0xb6: {  	[hbm4b:s14+s7] =	stream.linear.scatter [tilespmem:s29], [sflag:$0x3], $0x7D0, $0x38;
	[tilespmem:$0x1F080] =	vst v63  }
0xb7: {  	p2 =	seq.s32 s9, $0x18;
	s12 =	sadd.s32 s4, s26  }
0xb8: {  	[hbm4b:s12+s7] =	stream.linear.scatter [tilespmem:s30], [sflag:$0x3], $0x7D0, $0x38;
	[tilespmem:$0x1F080] =	vst v63  }
0xb9: {  	s12 =	sadd.s32 @!p2 s11, s17  }
0xba: {  	s12 =	sshrl.u32 @!p2 s12, $0x3  }
0xbb: {  	s15 =	simm.s32 @!p2 $0x1A080;
	s14 =	simm.s32 @!p2 $0x0;
	s13 =	sadd.s32 @!p2 s0, s12  }
0xbc: {  	[tilespmem:s15], [sflag:$0x1] =	stream.linear.gather @!p2 [hbm4b:s13+s14], $0x7D0, $0x38;
	[tilespmem:$0x1F080] =	vst v63  }
0xbd: {  	s13 =	sadd.s32 @!p2 s1, s12;
	s15 =	simm.s32 @!p2 $0x1B080  }
0xbe: {  	[tilespmem:s15], [sflag:$0x1] =	stream.linear.gather @!p2 [hbm4b:s13+s14], $0x7D0, $0x38;
	[tilespmem:$0x1F080] =	vst v63  }
0xbf: {  	s12 =	sadd.s32 @!p2 s2, s12;
	s13 =	simm.s32 @!p2 $0x1C080  }
0xc0: {  	[tilespmem:s13], [sflag:$0x1] =	stream.linear.gather @!p2 [hbm4b:s12+s14], $0x7D0, $0x38;
	[tilespmem:$0x1F080] =	vst v63  }
0xc1: {  	_ =	swait.ge [sflag:s31], $0x7D0  }
0xc2: {  	[sflag:s31] =	ssyncset.done $0x0  }
0xc3: {  	[sflag:s31] =	ssyncadd.s32 $0xFFFFF830  }
0xc4: {  	_ =	swait.ge [sflag:s31], $0x7D0  }
0xc5: {  	[sflag:s31] =	ssyncset.done $0x0  }
0xc6: {  	[sflag:s31] =	ssyncadd.s32 $0xFFFFF830  }
0xc7: {  	_ =	swait.ge [sflag:s31], $0x7D0  }
0xc8: {  	[sflag:s31] =	ssyncset.done $0x0  }
0xc9: {  	s12 =	simm.s32 @!p1 $0x4;
	[sflag:s31] =	ssyncadd.s32 $0xFFFFF830  }
0xca: {  	_ =	swait.ge @!p1 [sflag:s12], $0x7D0  }
0xcb: {  	[sflag:s12] =	ssyncset.done @!p1 $0x0  }
0xcc: {  	[sflag:s12] =	ssyncadd.s32 @!p1 $0xFFFFF830  }
0xcd: {  	_ =	swait.ge @!p1 [sflag:s12], $0x7D0  }
0xce: {  	[sflag:s12] =	ssyncset.done @!p1 $0x0  }
0xcf: {  	s15 =	simm.s32 $0x1A8A0;
	[sflag:s12] =	ssyncadd.s32 @!p1 $0xFFFFF830  }
0xd0: {  	v0 =	vld [tilespmem:s15+$0x20]  }
0xd1: {  	s16 =	simm.s32 $0x1B8A0;
	v1 =	vld [tilespmem:s15+$0xFFFFFFF0]  }
0xd2: {  	v2 =	vld [tilespmem:s16+$0x20]  }
0xd3: {  	v3 =	vld [tilespmem:s15+$0x0]  }
0xd4: {  	s19 =	simm.s32 $0x1C8A0;
	v4 =	vld [tilespmem:s15+$0x10]  }
0xd5: {  	v5 =	vld [tilespmem:s19+$0x20]  }
0xd6: {  	v6 =	vld [tilespmem:s15+$0xFFFFFFE0]  }
0xd7: {  	v7 =	vld [tilespmem:s19+$0xFFFFFFE0]  }
0xd8: {  	v8 =	vld [tilespmem:s19+$0xFFFFFFF0]  }
0xd9: {  	v9 =	vld [tilespmem:s19+$0x0]  }
0xda: {  	v10 =	vld [tilespmem:s19+$0x10]  }
0xdb: {  	v11 =	vld [tilespmem:s16+$0xFFFFFFE0]  }
0xdc: {  	v12 =	vld [tilespmem:s16+$0xFFFFFFF0]  }
0xdd: {  	v13 =	vld [tilespmem:s16+$0x0]  }
0xde: {  	s13 =	simm.s32 $0x1C8F0;
	v14 =	vld [tilespmem:s16+$0x10]  }
0xdf: {  	v17 =	vld [tilespmem:s13+$0xFFFFFFF0]  }
0xe0: {  	v60 =	vld [tilespmem:s13+$0x0]  }
0xe1: {  	v0 =	vld.idx.msk [tilespmem:v0+s7+$0x0], $0xffff  }
0xe2: {  	v2 =	vld.idx.msk [tilespmem:v2+s7+$0x0], $0xffff  }
0xe3: {  	v15 =	vmul.f32 v5, v5;
	v6 =	vld.idx.msk [tilespmem:v6+s7+$0x0], $0xffff  }
0xe4: {  	v1 =	vld.idx.msk [tilespmem:v1+s7+$0x0], $0xffff  }
0xe5: {  	v5 =	vmul.f32 v15, v5;
	v3 =	vld.idx.msk [tilespmem:v3+s7+$0x0], $0xffff  }
0xe6: {  	v16 =	vmul.f32 v9, v9;
	v15 =	vmul.f32 v8, v8;
	v12 =	vld.idx.msk [tilespmem:v12+s7+$0x0], $0xffff  }
0xe7: {  	v0 =	vmul.f32 v5, v0;
	v5 =	vld.idx.msk [tilespmem:v11+s7+$0x0], $0xffff;
	v11 =	vmul.f32 v7, v7  }
0xe8: {  	s26 =	simm.s32 $0x1A8F0;
	v4 =	vld.idx.msk [tilespmem:v4+s7+$0x0], $0xffff;
	v8 =	vmul.f32 v15, v8  }
0xe9: {  	v9 =	vmul.f32 v16, v9;
	v15 =	vld [tilespmem:s26+$0x20];
	v7 =	vmul.f32 v11, v7  }
0xea: {  	s12 =	simm.s32 $0x1B8F0;
	v1 =	vmul.f32 v8, v1;
	v0 =	vmul.f32 v0, v2;
	v2 =	vld.idx.msk [tilespmem:v13+s7+$0x0], $0xffff  }
0xeb: {  	v8 =	vld [tilespmem:s12+$0x20];
	v11 =	vmul.f32 v10, v10;
	v6 =	vmul.f32 v7, v6  }
0xec: {  	v3 =	vmul.f32 v9, v3;
	v13 =	vld.idx.msk [tilespmem:v14+s7+$0x0], $0xffff;
	v9 =	vmul.f32 v1, v12;
	v14 =	vsub.f32 $0.0e+00, v0  }
0xed: {  	v12 =	vld [tilespmem:s26+$0xFFFFFFE0];
	v10 =	vmul.f32 v11, v10;
	v5 =	vmul.f32 v6, v5  }
0xee: {  	v7 =	vld [tilespmem:s26+$0xFFFFFFF0];
	v11 =	vmul.f32 $1.442695020e+00, v14  }
0xef: {  	v1 =	vmul.f32 v10, v4;
	v10 =	vmul.f32 v3, v2;
	v2 =	vld [tilespmem:s13+$0x20];
	v4 =	vsub.f32 $0.0e+00, v5  }
0xf0: {  	v18 =	vld [tilespmem:s12+$0xFFFFFFF0];
	v3 =	vsub.f32 $0.0e+00, v9;
	(erf) = vpow2.f32 v11  }
0xf1: {  	v15 =	vld.idx.msk [tilespmem:v15+s7+$0x0], $0xffff;
	v13 =	vmul.f32 v1, v13;
	v1 =	vmul.f32 $1.442695020e+00, v4;
	v4 =	vsub.f32 $0.0e+00, v10  }
0xf2: {  	v6 =	vld [tilespmem:s26+$0x0]  }
0xf3: {  	v14 =	vld [tilespmem:s13+$0xFFFFFFE0];
	v3 =	vmul.f32 $1.442695020e+00, v3;
	v59 =	vsub.f32 $0.0e+00, v13;
	v4 =	vmul.f32 $1.442695020e+00, v4  }
0xf4: {  	(erf) = vpow2.f32 v1;
	v1 =	vld.idx.msk [tilespmem:v8+s7+$0x0], $0xffff;
	v8 =	vmul.f32 v2, v2  }
0xf5: {  	v11 =	vld [tilespmem:s26+$0x10];
	(erf) = vpow2.f32 v3;
	v3 =	vmul.f32 $1.442695020e+00, v59  }
0xf6: {  	v12 =	vld.idx.msk [tilespmem:v12+s7+$0x0], $0xffff;
	v2 =	vmul.f32 v8, v2  }
0xf7: {  	v62 =	vld.idx.msk [tilespmem:v7+s7+$0x0], $0xffff;
	(erf) = vpow2.f32 v4  }
0xf8: {  	v8 =	vld [tilespmem:s12+$0xFFFFFFE0];
	(erf) = vpow2.f32 v3;
	v2 =	vmul.f32 v2, v15  }
0xf9: {  	v20 =	vld [tilespmem:s12+$0x0];
	v21 =	vmul.f32 v17, v17;
	v19 =	vmul.f32 v14, v14;
	v3 =	vpop (erf)  }
0xfa: {  	v22 =	vld [tilespmem:s12+$0x10];
	v15 =	vsub.f32 $1.000000000e+00, v3;
	v3 =	vmul.f32 v3, v0;
	v0 =	vmul.f32 v2, v1  }
0xfb: {  	v17 =	vmul.f32 v21, v17;
	v14 =	vmul.f32 v19, v14;
	v4 =	vld [tilespmem:s13+$0x10]  }
0xfc: {  	s14 =	simm.s32 $0x1D8A0;
	v3 =	vsub.f32 v15, v3;
	v7 =	vsub.f32 $0.0e+00, v0  }
0xfd: {  	s15 =	simm.s32 $0x1E8A0;
	v12 =	vmul.f32 v14, v12;
	v14 =	vmul.f32 v17, v62;
	v2 =	vld.idx.msk [tilespmem:v6+s7+$0x0], $0xffff;
	[tilespmem:s14+$0x20] =	vst v15;
	v23 =	vpop (erf)  }
0xfe: {  	v15 =	vsub.f32 $1.000000000e+00, v23;
	v5 =	vmul.f32 v23, v5;
	v6 =	vpop (erf);
	[tilespmem:s15+$0x20] =	vst v3;
	v3 =	vld.idx.msk [tilespmem:v11+s7+$0x0], $0xffff;
	v11 =	vmul.f32 $1.442695020e+00, v7  }
0xff: {  	v1 =	vmul.f32 v60, v60;
	v63 =	vsub.f32 $1.000000000e+00, v6;
	v9 =	vmul.f32 v6, v9  }
0x100: {  	v61 =	vmul.f32 v4, v4;
	v6 =	vld.idx.msk [tilespmem:v8+s7+$0x0], $0xffff;
	v7 =	vpop (erf);
	[tilespmem:s14+$0xFFFFFFE0] =	vst v15;
	v8 =	vsub.f32 v15, v5;
	(erf) = vpow2.f32 v11  }
0x101: {  	v5 =	vsub.f32 $1.000000000e+00, v7;
	v15 =	vmul.f32 v7, v10;
	v7 =	vld.idx.msk [tilespmem:v18+s7+$0x0], $0xffff;
	[tilespmem:s14+$0xFFFFFFF0] =	vst v63;
	v16 =	vsub.f32 v63, v9;
	v10 =	vpop (erf)  }
0x102: {  	v1 =	vmul.f32 v1, v60;
	v9 =	vld.idx.msk [tilespmem:v20+s7+$0x0], $0xffff;
	[tilespmem:s15+$0xFFFFFFE0] =	vst v8;
	v11 =	vmul.f32 v10, v13;
	v8 =	vsub.f32 $1.000000000e+00, v10  }
0x103: {  	s16 =	sadd.s32 s11, s10;
	s19 =	simm.s32 $0x5;
	s26 =	simm.s32 $0x1A940;
	v4 =	vmul.f32 v61, v4;
	v10 =	vld.idx.msk [tilespmem:v22+s7+$0x0], $0xffff;
	[tilespmem:s15+$0xFFFFFFF0] =	vst v16;
	v13 =	vsub.f32 v5, v15  }
.LBB2_5:
0x104: {  	v15 =	vld [tilespmem:s26+$0x20];
	s19 =	sadd.s32 $0x5, s19;
	v1 =	vmul.f32 v1, v2;
	[tilespmem:s14+$0x0] =	vst v5;
	v2 =	vsub.f32 v8, v11  }
0x105: {  	v3 =	vmul.f32 v4, v3;
	s12 =	sadd.s32 $0x50, s12;
	v5 =	vld [tilespmem:s26+$0xFFFFFFF0];
	p1 =	slt.u32 s19, $0x78;
	[tilespmem:s15+$0x0] =	vst v13  }
0x106: {  	v6 =	vmul.f32 v12, v6;
	v4 =	vld [tilespmem:s12+$0x20];
	[tilespmem:s14+$0x10] =	vst v8  }
0x107: {  	v7 =	vmul.f32 v14, v7;
	v8 =	vld [tilespmem:s26+$0x0];
	[tilespmem:s15+$0x10] =	vst v2  }
0x108: {  	s13 =	sadd.s32 $0x50, s13;
	v2 =	vsub.f32 $0.0e+00, v6;
	v9 =	vmul.f32 v1, v9;
	v11 =	vld [tilespmem:s26+$0x10]  }
0x109: {  	v12 =	vsub.f32 $0.0e+00, v7;
	v10 =	vmul.f32 v3, v10;
	v1 =	vld [tilespmem:s13+$0x20]  }
0x10a: {  	v2 =	vmul.f32 $1.442695020e+00, v2;
	v13 =	vsub.f32 $0.0e+00, v9;
	v3 =	vld [tilespmem:s26+$0xFFFFFFE0];
	v14 =	vpop (erf)  }
0x10b: {  	v17 =	vsub.f32 $0.0e+00, v10;
	v16 =	vld [tilespmem:s13+$0xFFFFFFE0];
	v18 =	vsub.f32 $1.000000000e+00, v14;
	v0 =	vmul.f32 v14, v0  }
0x10c: {  	v12 =	vmul.f32 $1.442695020e+00, v12;
	v13 =	vmul.f32 $1.442695020e+00, v13;
	v14 =	vld.idx.msk [tilespmem:v15+s7+$0x0], $0xffff  }
0x10d: {  	s14 =	sadd.s32 $0x50, s14;
	v17 =	vmul.f32 $1.442695020e+00, v17;
	v15 =	vld [tilespmem:s13+$0xFFFFFFF0];
	v0 =	vsub.f32 v18, v0;
	(erf) = vpow2.f32 v2  }
0x10e: {  	s15 =	sadd.s32 $0x50, s15;
	v2 =	vld.idx.msk [tilespmem:v4+s7+$0x0], $0xffff;
	v4 =	vmul.f32 v1, v1;
	[tilespmem:s14+$0x20] =	vst v18;
	(erf) = vpow2.f32 v12  }
0x10f: {  	v12 =	vld [tilespmem:s13+$0x0];
	[tilespmem:s15+$0x20] =	vst v0;
	(erf) = vpow2.f32 v13  }
0x110: {  	v0 =	vmul.f32 v16, v16;
	v13 =	vld [tilespmem:s13+$0x10];
	v1 =	vmul.f32 v4, v1  }
0x111: {  	v18 =	vld [tilespmem:s12+$0xFFFFFFE0];
	(erf) = vpow2.f32 v17  }
0x112: {  	v17 =	vld [tilespmem:s12+$0xFFFFFFF0];
	v4 =	vmul.f32 v15, v15;
	v1 =	vmul.f32 v1, v14  }
0x113: {  	v14 =	vmul.f32 v0, v16;
	v16 =	vld [tilespmem:s12+$0x0]  }
0x114: {  	v19 =	vmul.f32 v12, v12;
	v20 =	vld [tilespmem:s12+$0x10];
	v0 =	vmul.f32 v1, v2  }
0x115: {  	v15 =	vmul.f32 v4, v15;
	v21 =	vld.idx.msk [tilespmem:v3+s7+$0x0], $0xffff;
	v3 =	vmul.f32 v13, v13  }
0x116: {  	v22 =	vld.idx.msk [tilespmem:v5+s7+$0x0], $0xffff;
	v1 =	vmul.f32 v19, v12;
	v5 =	vsub.f32 $0.0e+00, v0;
	v12 =	vpop (erf)  }
0x117: {  	v2 =	vld.idx.msk [tilespmem:v8+s7+$0x0], $0xffff;
	v4 =	vmul.f32 v3, v13;
	v8 =	vsub.f32 $1.000000000e+00, v12;
	v12 =	vmul.f32 v12, v6;
	v6 =	vpop (erf)  }
.Ltmp3:
0x118: {  	v3 =	vld.idx.msk [tilespmem:v11+s7+$0x0], $0xffff;
	v23 =	vmul.f32 $1.442695020e+00, v5;
	v13 =	vsub.f32 $1.000000000e+00, v6;
	v19 =	vmul.f32 v6, v7;
	v7 =	vpop (erf);
	(pc) =	sbr.rel @p1 .LBB2_5-.Ltmp3, $4  }
0x119: {  	v6 =	vld.idx.msk [tilespmem:v18+s7+$0x0], $0xffff;
	[tilespmem:s14+$0xFFFFFFE0] =	vst v8;
	v8 =	vsub.f32 v8, v12;
	v5 =	vsub.f32 $1.000000000e+00, v7;
	v18 =	vmul.f32 v7, v9  }
0x11a: {  	v7 =	vld.idx.msk [tilespmem:v17+s7+$0x0], $0xffff;
	(erf) = vpow2.f32 v23;
	[tilespmem:s14+$0xFFFFFFF0] =	vst v13;
	v13 =	vsub.f32 v13, v19;
	v11 =	vpop (erf)  }
0x11b: {  	v12 =	vmul.f32 v14, v21;
	v9 =	vld.idx.msk [tilespmem:v16+s7+$0x0], $0xffff;
	[tilespmem:s15+$0xFFFFFFE0] =	vst v8;
	v8 =	vsub.f32 $1.000000000e+00, v11;
	v11 =	vmul.f32 v11, v10  }
0x11c: {  	s26 =	sadd.s32 $0x50, s26;
	v14 =	vmul.f32 v15, v22;
	v10 =	vld.idx.msk [tilespmem:v20+s7+$0x0], $0xffff;
	[tilespmem:s15+$0xFFFFFFF0] =	vst v13;
	v13 =	vsub.f32 v5, v18  }
0x11d: {  	_ = 	snop  }
0x11e: {  	v6 =	vmul.f32 v12, v6  }
0x11f: {  	v1 =	vmul.f32 v1, v2;
	v46 =	vmul.f32 v14, v7  }
0x120: {  	v47 =	vsub.f32 $0.0e+00, v6  }
0x121: {  	v3 =	vmul.f32 v4, v3;
	v1 =	vmul.f32 v1, v9;
	v48 =	vsub.f32 $0.0e+00, v46  }
0x122: {  	v7 =	vmul.f32 $1.442695020e+00, v47  }
0x123: {  	v3 =	vmul.f32 v3, v10;
	v9 =	vsub.f32 $0.0e+00, v1;
	v4 =	vmul.f32 $1.442695020e+00, v48  }
0x124: {  	(erf) = vpow2.f32 v7  }
0x125: {  	v49 =	vsub.f32 $0.0e+00, v3;
	v9 =	vmul.f32 $1.442695020e+00, v9;
	(erf) = vpow2.f32 v4;
	_ =	sdelay $0x1  }
0x126: {  	v50 =	vmul.f32 $1.442695020e+00, v49;
	(erf) = vpow2.f32 v9;
	_ =	sdelay $0x1  }
0x127: {  	(erf) = vpow2.f32 v50  }
0x128: {  	[tilespmem:s14+$0x0] =	vst v5;
	v51 =	vpop (erf)  }
0x129: {  	v52 =	vsub.f32 v8, v11;
	[tilespmem:s14+$0x10] =	vst v8;
	v53 =	vsub.f32 $1.000000000e+00, v51;
	v0 =	vmul.f32 v51, v0  }
0x12a: {  	[tilespmem:s15+$0x0] =	vst v13  }
0x12b: {  	s12 =	sadd.s32 $0x50, s14;
	[tilespmem:s15+$0x10] =	vst v52;
	v0 =	vsub.f32 v53, v0;
	v54 =	vpop (erf)  }
0x12c: {  	s13 =	sadd.s32 $0x50, s15;
	[tilespmem:s12+$0x20] =	vst v53;
	v55 =	vsub.f32 $1.000000000e+00, v54;
	v4 =	vmul.f32 v54, v6;
	v56 =	vpop (erf)  }
0x12d: {  	[tilespmem:s13+$0x20] =	vst v0;
	v57 =	vsub.f32 $1.000000000e+00, v56  }
0x12e: {  	v2 =	vmul.f32 v56, v46;
	v58 =	vpop (erf);
	[tilespmem:s12+$0xFFFFFFE0] =	vst v55;
	v4 =	vsub.f32 v55, v4  }
0x12f: {  	v59 =	vsub.f32 $1.000000000e+00, v58;
	[tilespmem:s12+$0xFFFFFFF0] =	vst v57  }
0x130: {  	v1 =	vmul.f32 v58, v1;
	v60 =	vpop (erf);
	v0 =	vsub.f32 v57, v2;
	[tilespmem:s13+$0xFFFFFFE0] =	vst v4  }
0x131: {  	v61 =	vsub.f32 $1.000000000e+00, v60;
	v2 =	vmul.f32 v60, v3;
	[tilespmem:s12+$0x0] =	vst v59  }
0x132: {  	v62 =	vsub.f32 v59, v1;
	[tilespmem:s13+$0xFFFFFFF0] =	vst v0  }
0x133: {  	v63 =	vsub.f32 v61, v2;
	[tilespmem:s12+$0x10] =	vst v61  }
.Ltmp4:
0x134: {  	s19 =	sshrl.u32 s16, $0x3;
	[tilespmem:s13+$0x0] =	vst v62;
	(pc) =	sbr.rel @p2 .LBB2_8-.Ltmp4, $4  }
0x135: {  	s26 =	sadd.s32 s3, s19;
	[tilespmem:s13+$0x10] =	vst v63  }
0x136: {  	[hbm4b:s26+s7] =	stream.linear.scatter [tilespmem:s5], [sflag:$0x4], $0x7D0, $0x38;
	[tilespmem:$0x1F080] =	vst v63  }
0x137: {  	s12 =	sadd.s32 s4, s19  }
0x138: {  	[hbm4b:s12+s7] =	stream.linear.scatter [tilespmem:s20], [sflag:$0x4], $0x7D0, $0x38;
	[tilespmem:$0x1F080] =	vst v63  }
0x139: {  	s11 =	sadd.s32 s11, s18  }
0x13a: {  	s11 =	sshrl.u32 s11, $0x3  }
0x13b: {  	s12 =	sadd.s32 s0, s11  }
0x13c: {  	[tilespmem:s23], [sflag:$0x2] =	stream.linear.gather [hbm4b:s12+s7], $0x7D0, $0x38;
	[tilespmem:$0x1F080] =	vst v63  }
.Ltmp5:
0x13d: {  	_ = 	snop;
	(pc) =	sbr.rel .LBB2_2-.Ltmp5, $4  }
0x13e: {  	s26 =	sadd.s32 s1, s11  }
0x13f: {  	[tilespmem:s24], [sflag:$0x2] =	stream.linear.gather [hbm4b:s26+s7], $0x7D0, $0x38;
	[tilespmem:$0x1F080] =	vst v63  }
0x140: {  	s9 =	sadd.s32 $0x1, s9;
	s11 =	sadd.s32 s2, s11  }
0x141: {  	[tilespmem:s25], [sflag:$0x2] =	stream.linear.gather [hbm4b:s11+s7], $0x7D0, $0x38;
	[tilespmem:$0x1F080] =	vst v63  }
.LBB2_9:
0x142: {  	_ =	sfence.sel $0x180000  }
0x143: {  	[bflag:$0x0] =	sbarrier.arrive $0xFFFF  }
0x144: {  	_ =	strace $0x90000047  }
0x145: {  	[bflag:$0x2] =	sbarrier.arrive $0xFFFF  }
0x146: {  	s0 =	rddreg [dreg:$0x7]  }
0x147: {  	s0 =	sadd.s32 @!p0 $0x100000, s0  }
0x148: {  	[sflag:s0] =	ssyncadd.tile.s32 @!p0 $0x1;
	_ =	shalt  }
.Lfunc_end2:
_tile_overlayer_lowered:
.L_overlay_start_2:
0x149: {  	(tag) =	ssettag $0x2  }
0x14a: {  	s0 =	rddreg [dreg:$0x0];
	s2 =	stileid.u32  }
0x14b: {  	s1 =	rddreg [dreg:$0x1];
	p0 =	sne.s32 s2, $0x0  }
0x14c: {  	s3 =	rddreg [dreg:$0x2];
	[bflag:$0x3] =	sbarrier.arrive $0xFFFF;
	s2 =	simm.s32 @!p0 $0x1C05  }
0x14d: {  	[timem:s3], [sflag:s2] =	dma.local @!p0 [hbm:s0], s1  }
0x14e: {  	s0 =	simm.s32 @!p0 $0x5  }
0x14f: {  	_ =	swait.ge @!p0 [sflag:s0], s1  }
0x150: {  	s1 =	ssub.s32 @!p0 $0x0, s1;
	[sflag:s0] =	ssyncset.done @!p0 $0x0  }
0x151: {  	[sflag:s0] =	ssyncadd.s32 @!p0 s1  }
0x152: {  	[bflag:$0x3] =	sbarrier.arrive $0xFFFF  }
0x153: {  	_ =	shalt  }

</sc_bundles>
